<compile_context>
chip_gen: v7x
topology: tpu7x:2x2x1
jax: 0.10.2.dev20260603
libtpu: 0.0.44.dev20260713+nightly
codegen_flags: <defaults>
</compile_context>

<pallas_src>
import functools

import jax
import jax.numpy as jnp
from jax import lax
from jax.experimental import pallas as pl
from jax.experimental.pallas import tpu as pltpu
from jax.experimental.pallas import tpu_sc as plsc

T = 4096
D = 1024
E = 8
K = 2
F = 4096
C = 1280
EC = E * C
BUF_ROWS = EC + 8

BT = 512
NB = T // BT

BF = 2048
NF = F // BF

NW = 32
TPW = T // NW
CH = 32
NCH = TPW // CH

BT2 = 512
NB2 = T // BT2



def _router_body(x_ref, wg_ref, dscat_ref, dgath_ref, gate_ref, valid_ref,
                 cnt_out_ref, counts_ref):
    k = pl.program_id(0)
    b = pl.program_id(1)

    @pl.when((k == 0) & (b == 0))
    def _():
        counts_ref[...] = jnp.zeros_like(counts_ref)

    xblk = x_ref[...]
    logits = jnp.dot(xblk, wg_ref[...],
                     preferred_element_type=jnp.float32)
    lane = lax.broadcasted_iota(jnp.int32, (BT, 128), 1)
    act = lane < E
    logits = jnp.where(act, logits, -1e30)
    mx = jnp.max(logits, axis=1, keepdims=True)
    ex = jnp.where(act, jnp.exp(logits - mx), 0.0)
    sm = jnp.sum(ex, axis=1, keepdims=True)
    g = ex / sm

    v1 = jnp.max(g, axis=1, keepdims=True)
    i1 = jnp.min(jnp.where(g == v1, lane, 128), axis=1, keepdims=True)
    g2 = jnp.where(lane == i1, -1.0, g)
    v2 = jnp.max(g2, axis=1, keepdims=True)
    i2 = jnp.min(jnp.where(g2 == v2, lane, 128), axis=1, keepdims=True)

    denom = v1 + v2 + 1e-9
    vsel = jnp.where(k == 0, v1, v2) / denom
    isel = jnp.where(k == 0, i1, i2)

    onehot = (lane == isel).astype(jnp.float32)
    r = lax.broadcasted_iota(jnp.int32, (BT, BT), 0)
    cc = lax.broadcasted_iota(jnp.int32, (BT, BT), 1)
    tri = (cc < r).astype(jnp.float32)
    pref = jnp.dot(tri, onehot, preferred_element_type=jnp.float32)
    posm = pref + counts_ref[...]
    pos = jnp.sum(posm * onehot, axis=1, keepdims=True).astype(jnp.int32)
    counts_ref[...] = counts_ref[...] + jnp.sum(onehot, axis=0, keepdims=True)

    cnt_out_ref[...] = counts_ref[...]

    valid = pos < C
    dst = isel * C + pos
    dscat_ref[...] = jnp.where(valid, dst, EC)[None]
    dgath_ref[...] = jnp.where(valid, dst, 0)[None]
    gate_ref[...] = jnp.where(valid, vsel, 0.0)[None]
    valid_ref[...] = valid.astype(jnp.float32)[None]


def _router(x, wgp):
    grid = (K, NB)
    io = jax.ShapeDtypeStruct((K * NB, BT, 1), jnp.int32)
    fo = jax.ShapeDtypeStruct((K * NB, BT, 1), jnp.float32)
    out_spec = pl.BlockSpec((1, BT, 1), lambda k, b: (k * NB + b, 0, 0))
    cnt_spec = pl.BlockSpec((1, 128), lambda k, b: (0, 0))
    co = jax.ShapeDtypeStruct((1, 128), jnp.float32)
    return pl.pallas_call(
        _router_body,
        grid=grid,
        in_specs=[
            pl.BlockSpec((BT, D), lambda k, b: (b, 0)),
            pl.BlockSpec((D, 128), lambda k, b: (0, 0)),
        ],
        out_specs=[out_spec] * 4 + [cnt_spec],
        out_shape=[io, io, fo, fo, co],
        scratch_shapes=[pltpu.VMEM((1, 128), jnp.float32)],
    )(x, wgp)



def _sc_scatter(x, idx):
    mesh = plsc.VectorSubcoreMesh(core_axis_name="c", subcore_axis_name="s")

    @functools.partial(
        pl.kernel,
        mesh=mesh,
        out_type=jax.ShapeDtypeStruct((BUF_ROWS, D), jnp.float32),
        scratch_types=[
            pltpu.VMEM((K * NCH, CH), jnp.int32),
            pltpu.VMEM((CH, D), jnp.float32),
        ],
    )
    def kern(x_hbm, idx_hbm, buf_hbm, idxv, xv):
        wid = lax.axis_index("s") * 2 + lax.axis_index("c")
        pltpu.sync_copy(idx_hbm.at[wid], idxv)
        base = wid * TPW

        @pl.loop(0, NCH)
        def _(c):
            pltpu.sync_copy(x_hbm.at[pl.ds(base + c * CH, CH)], xv)
            pltpu.sync_copy(xv, buf_hbm.at[idxv.at[c]])
            pltpu.sync_copy(xv, buf_hbm.at[idxv.at[NCH + c]])

    return kern(x, idx)



def _sc_gather(y, idx):
    mesh = plsc.VectorSubcoreMesh(core_axis_name="c", subcore_axis_name="s")

    @functools.partial(
        pl.kernel,
        mesh=mesh,
        out_type=jax.ShapeDtypeStruct((K * T, D), jnp.float32),
        scratch_types=[
            pltpu.VMEM((K * NCH, CH), jnp.int32),
            pltpu.VMEM((CH, D), jnp.float32),
        ],
    )
    def kern(y_hbm, idx_hbm, out_hbm, idxv, yv):
        wid = lax.axis_index("s") * 2 + lax.axis_index("c")
        pltpu.sync_copy(idx_hbm.at[wid], idxv)
        base = wid * TPW

        @pl.loop(0, K * NCH)
        def _(j):
            pltpu.sync_copy(y_hbm.at[idxv.at[j]], yv)
            dst = (j // NCH) * T + base + (j % NCH) * CH
            pltpu.sync_copy(yv, out_hbm.at[pl.ds(dst, CH)])

    return kern(y, idx)



def _ffn_body(buf_ref, fc1_ref, fc1b_ref, fc2_ref, fc2b_ref, y_ref,
              bufb_ref):
    f = pl.program_id(1)

    @pl.when(f == 0)
    def _():
        bufb_ref[...] = buf_ref[...].astype(jnp.bfloat16)

    @pl.when(f == 0)
    def _():
        y_ref[...] = jnp.broadcast_to(fc2b_ref[0], (C, D))

    bufb = bufb_ref[...]
    fc1w = fc1_ref[0].astype(jnp.bfloat16)
    h = lax.dot_general(bufb, fc1w, (((1,), (1,)), ((), ())),
                        preferred_element_type=jnp.float32)
    h = jnp.maximum(h + fc1b_ref[0], 0.0).astype(jnp.bfloat16)
    fc2w = fc2_ref[0].astype(jnp.bfloat16)
    y_ref[...] += lax.dot_general(h, fc2w, (((1,), (1,)), ((), ())),
                                  preferred_element_type=jnp.float32)


def _ffn(buf, fc1f, fc1b3, fc2f, fc2b3):
    return pl.pallas_call(
        _ffn_body,
        grid=(E, NF),
        in_specs=[
            pl.BlockSpec((C, D), lambda e, f: (e, 0)),
            pl.BlockSpec((1, BF, D), lambda e, f: (e, f, 0)),
            pl.BlockSpec((1, 1, BF), lambda e, f: (e, 0, f)),
            pl.BlockSpec((1, D, BF), lambda e, f: (e, 0, f)),
            pl.BlockSpec((1, 1, D), lambda e, f: (e, 0, 0)),
        ],
        out_specs=pl.BlockSpec((C, D), lambda e, f: (e, 0)),
        out_shape=jax.ShapeDtypeStruct((EC, D), jnp.float32),
        scratch_shapes=[pltpu.VMEM((C, D), jnp.bfloat16)],
        compiler_params=pltpu.CompilerParams(
            dimension_semantics=("parallel", "arbitrary"),
            vmem_limit_bytes=64 * 1024 * 1024),
    )(buf, fc1f, fc1b3, fc2f, fc2b3)



def _combine_body(y0_ref, y1_ref, g0_ref, g1_ref, v0_ref, v1_ref, out_ref):
    m0 = v0_ref[0] > 0.5
    m1 = v1_ref[0] > 0.5
    t0 = jnp.where(m0, y0_ref[...], 0.0) * g0_ref[0]
    t1 = jnp.where(m1, y1_ref[...], 0.0) * g1_ref[0]
    out_ref[...] = t0 + t1


def _combine(ygath, g3, v3):
    row = pl.BlockSpec((BT2, D), lambda i: (i, 0))
    col0 = pl.BlockSpec((1, BT2, 1), lambda i: (0, i, 0))
    col1 = pl.BlockSpec((1, BT2, 1), lambda i: (1, i, 0))
    return pl.pallas_call(
        _combine_body,
        grid=(NB2,),
        in_specs=[
            pl.BlockSpec((BT2, D), lambda i: (i, 0)),
            pl.BlockSpec((BT2, D), lambda i: (i + NB2, 0)),
            col0, col1, col0, col1,
        ],
        out_specs=row,
        out_shape=jax.ShapeDtypeStruct((T, D), jnp.float32),
        compiler_params=pltpu.CompilerParams(
            dimension_semantics=("parallel",)),
    )(ygath, ygath, g3, g3, v3, v3)



def _to_sc_layout(a):
    a = a.reshape(K, NW, NCH, CH)
    return a.transpose(1, 0, 2, 3).reshape(NW, K * NCH, CH)


def kernel(x, Wg, fc1, fc1b, fc2, fc2b):
    wgp = jnp.pad(Wg, ((0, 0), (0, 128 - E)))
    dscat, dgath, gate, valid, counts = _router(x, wgp)

    idx_scat = _to_sc_layout(dscat)
    idx_gath = _to_sc_layout(dgath)

    buf = _sc_scatter(x, idx_scat)

    y = _ffn(buf, fc1, fc1b[:, None, :], fc2, fc2b[:, None, :])

    ygath = _sc_gather(y, idx_gath)

    g3 = gate.reshape(K, T, 1)
    v3 = valid.reshape(K, T, 1)
    return _combine(ygath, g3, v3)

# --- scband reference (transcript-rebuilt; emitter-appended) ---
"""Pipeline reference for scband-mole-core-49615462203810 (READ-ONLY COPY).

The authoritative reference and input builder live on the scoring server;
editing this copy changes nothing except your own understanding.
"""

import jax, jax.numpy as jnp
import numpy as np

NUM_EXPERTS = 8
TOP_K = 2
D_MODEL = 1024
D_FF = 4096
TOKENS = 4096
CAP_FACTOR = 1.25
CAPACITY = int(CAP_FACTOR * TOP_K * TOKENS / NUM_EXPERTS)


def setup_inputs(seed: int = 0) -> dict:
    key = jax.random.key(seed)
    ks = jax.random.split(key, 6)
    x = jax.random.normal(ks[0], (TOKENS, D_MODEL), dtype=jnp.float32)
    Wg = jax.random.normal(ks[1], (D_MODEL, NUM_EXPERTS), dtype=jnp.float32) * 0.02
    fc1 = jax.random.normal(ks[2], (NUM_EXPERTS, D_FF, D_MODEL), dtype=jnp.float32) * (1.0 / np.sqrt(D_MODEL))
    fc1b = jnp.zeros((NUM_EXPERTS, D_FF), dtype=jnp.float32)
    fc2 = jax.random.normal(ks[3], (NUM_EXPERTS, D_MODEL, D_FF), dtype=jnp.float32) * (1.0 / np.sqrt(D_FF))
    fc2b = jnp.zeros((NUM_EXPERTS, D_MODEL), dtype=jnp.float32)
    return {"x": x, "Wg": Wg, "fc1": fc1, "fc1b": fc1b, "fc2": fc2, "fc2b": fc2b}


def _moe_forward(x, Wg, fc1, fc1b, fc2, fc2b):
    T, d = x.shape
    E, K, C = NUM_EXPERTS, TOP_K, CAPACITY
    # router (gate) -> softmax scores, top-k selection, normalize_gate=True
    logits = x @ Wg
    gates = jax.nn.softmax(logits, axis=-1)
    topk_vals, topk_idx = jax.lax.top_k(gates, K)
    topk_vals = topk_vals / (jnp.sum(topk_vals, axis=-1, keepdims=True) + 1e-9)
    # extract_critical: per-expert locations via cumulative counts (k-major order,
    # matching non-batch-prioritized routing), with capacity clipping
    m = jax.nn.one_hot(topk_idx, E, dtype=jnp.float32)            # [T, K, E]
    mkt = jnp.transpose(m, (1, 0, 2)).reshape(K * T, E)            # [K*T, E]
    loc = jnp.cumsum(mkt, axis=0) - mkt
    pos = jnp.sum(loc * mkt, axis=-1).astype(jnp.int32)            # [K*T]
    flat_exp = jnp.transpose(topk_idx, (1, 0)).reshape(K * T)      # [K*T]
    valid = pos < C
    pos_c = jnp.minimum(pos, C - 1)
    # fast_encode: scatter tokens into per-expert contiguous buffers [E, C, d]
    x_rep = jnp.tile(x, (K, 1))
    vals = jnp.where(valid[:, None], x_rep, 0.0)
    buf = jnp.zeros((E, C, d), dtype=x.dtype).at[flat_exp, pos_c].add(vals)
    # expert_fn: per-expert FFN  fc2(act(fc1(x)))  with biases (addmm path)
    h = jax.nn.relu(jnp.einsum('ecd,efd->ecf', buf, fc1) + fc1b[:, None, :])
    y = jnp.einsum('ecf,edf->ecd', h, fc2) + fc2b[:, None, :]
    # fast_decode: gather expert outputs back, weight by gate values, sum over k
    gval = jnp.transpose(topk_vals, (1, 0)).reshape(K * T)
    out_flat = y[flat_exp, pos_c] * (gval * valid.astype(x.dtype))[:, None]
    out = jnp.sum(out_flat.reshape(K, T, d), axis=0)
    return out


def reference(x, Wg, fc1, fc1b, fc2, fc2b):
    return _moe_forward(x, Wg, fc1, fc1b, fc2, fc2b)

if __name__ == "__main__":
    import jax
    _d = setup_inputs()
    print(jax.jit(kernel)(*tuple(_d.values())))

</pallas_src>

<mosaic_0001>
#map = affine_map<(d0, d1) -> (0, 0)>
#map1 = affine_map<(d0, d1) -> (0, 0, 0)>
module attributes {stable_mosaic.version = 14 : i64} {
  func.func @kern(%arg0: i32, %arg1: i32, %arg2: memref<10240x1024xf32, #tpu.memory_space<hbm>>, %arg3: memref<32x8x32xi32, #tpu.memory_space<hbm>>, %arg4: memref<8192x1024xf32, #tpu.memory_space<hbm>>, %arg5: memref<8x32xi32, #tpu.memory_space<vmem>>, %arg6: memref<32x1024xf32, #tpu.memory_space<vmem>>) attributes {dimension_semantics = [#tpu.dimension_semantics<core_parallel>, #tpu.dimension_semantics<subcore_parallel>], iteration_bounds = array<i64: 2, 16>, scalar_prefetch = 0 : i64, scratch_operands = 2 : i64, tpu.core_type = #tpu.core_type<sc_vector_subcore>, window_params = [{transform_indices = #map}, {transform_indices = #map1}, {transform_indices = #map}]} {
    %mul3A = arith.constant 2 : i32
    %mul3A_0 = arith.muli %arg1, %mul3A : i32
    %add3A = arith.addi %mul3A_0, %arg0 : i32
    "tpu.region"() ({
      %run_scoped3A = tpu.sem_alloc : memref<!tpu.dma_semaphore, #tpu.memory_space<semaphore_mem>>
      %dma_start3A = arith.constant 0 : i32
      %dma_start3A_7 = arith.constant 0 : i32
      %dma_start3A_8 = tpu.memref_slice %arg3[%add3A, %dma_start3A, %dma_start3A_7] : memref<32x8x32xi32, #tpu.memory_space<hbm>> -> memref<1x8x32xi32, #tpu.memory_space<hbm>>
      %dma_start3A_9 = tpu.memref_squeeze %dma_start3A_8 : memref<1x8x32xi32, #tpu.memory_space<hbm>> -> memref<8x32xi32, #tpu.memory_space<hbm>>
      %dma_start3A_10 = arith.constant 0 : i32
      %dma_start3A_11 = arith.constant 0 : i32
      %dma_start3A_12 = tpu.memref_slice %arg3[%add3A, %dma_start3A_10, %dma_start3A_11] : memref<32x8x32xi32, #tpu.memory_space<hbm>> -> memref<1x8x32xi32, #tpu.memory_space<hbm>>
      %dma_start3A_13 = tpu.memref_squeeze %dma_start3A_12 : memref<1x8x32xi32, #tpu.memory_space<hbm>> -> memref<8x32xi32, #tpu.memory_space<hbm>>
      tpu.enqueue_dma source(%dma_start3A_13 : memref<8x32xi32, #tpu.memory_space<hbm>>) target(%arg5 : memref<8x32xi32, #tpu.memory_space<vmem>>) target_semaphore(%run_scoped3A : memref<!tpu.dma_semaphore, #tpu.memory_space<semaphore_mem>>)
      %dma_wait3A = arith.constant 0 : i32
      %dma_wait3A_14 = arith.constant 0 : i32
      %dma_wait3A_15 = tpu.memref_slice %arg3[%add3A, %dma_wait3A, %dma_wait3A_14] : memref<32x8x32xi32, #tpu.memory_space<hbm>> -> memref<1x8x32xi32, #tpu.memory_space<hbm>>
      %dma_wait3A_16 = tpu.memref_squeeze %dma_wait3A_15 : memref<1x8x32xi32, #tpu.memory_space<hbm>> -> memref<8x32xi32, #tpu.memory_space<hbm>>
      %dma_wait3A_17 = arith.constant 0 : i32
      %dma_wait3A_18 = arith.constant 0 : i32
      %dma_wait3A_19 = tpu.memref_slice %arg3[%add3A, %dma_wait3A_17, %dma_wait3A_18] : memref<32x8x32xi32, #tpu.memory_space<hbm>> -> memref<1x8x32xi32, #tpu.memory_space<hbm>>
      %dma_wait3A_20 = tpu.memref_squeeze %dma_wait3A_19 : memref<1x8x32xi32, #tpu.memory_space<hbm>> -> memref<8x32xi32, #tpu.memory_space<hbm>>
      tpu.wait_dma2 semaphore(%run_scoped3A : memref<!tpu.dma_semaphore, #tpu.memory_space<semaphore_mem>>) src(%dma_wait3A_20 : memref<8x32xi32, #tpu.memory_space<hbm>>) dst(%arg5 : memref<8x32xi32, #tpu.memory_space<vmem>>)
      tpu.yield
    }) : () -> ()
    %mul3A_1 = arith.constant 128 : i32
    %mul3A_2 = arith.muli %add3A, %mul3A_1 : i32
    %scan3A = arith.constant 0 : i32
    %scan3A_3 = arith.constant 8 : i32
    %scan3A_4 = arith.addi %scan3A, %scan3A_3 : i32
    %scan3A_5 = arith.constant 1 : i32
    scf.for %scan3A_7 = %scan3A to %scan3A_4 step %scan3A_5  : i32 {
      %mul3A_8 = arith.constant 1 : i32
      %mul3A_9 = arith.muli %scan3A_7, %mul3A_8 : i32
      %add3A_10 = arith.constant 0 : i32
      %add3A_11 = arith.addi %add3A_10, %mul3A_9 : i32
      "tpu.region"() ({
        %run_scoped3A = tpu.sem_alloc : memref<!tpu.dma_semaphore, #tpu.memory_space<semaphore_mem>>
        %dma_start3A = arith.constant 0 : i32
        %dma_start3A_48 = tpu.memref_slice %arg5[%add3A_11, %dma_start3A] : memref<8x32xi32, #tpu.memory_space<vmem>> -> memref<1x32xi32, #tpu.memory_space<vmem>>
        %dma_start3A_49 = tpu.memref_squeeze %dma_start3A_48 : memref<1x32xi32, #tpu.memory_space<vmem>> -> memref<32xi32, #tpu.memory_space<vmem>>
        %dma_start3A_50 = arith.constant 0 : i32
        %dma_start3A_51 = arith.constant 0 : i32
        %dma_start3A_52 = tpu.memref_slice %arg2[%dma_start3A_50, %dma_start3A_51] : memref<10240x1024xf32, #tpu.memory_space<hbm>> -> memref<10240x1024xf32, #tpu.memory_space<hbm>>
        tpu.enqueue_indirect_dma source(%dma_start3A_52 : memref<10240x1024xf32, #tpu.memory_space<hbm>>) target(%arg6 : memref<32x1024xf32, #tpu.memory_space<vmem>>) offsets(%dma_start3A_49 : memref<32xi32, #tpu.memory_space<vmem>>) semaphore(%run_scoped3A : memref<!tpu.dma_semaphore, #tpu.memory_space<semaphore_mem>>)
        %dma_wait3A = arith.constant 0 : i32
        %dma_wait3A_53 = tpu.memref_slice %arg5[%add3A_11, %dma_wait3A] : memref<8x32xi32, #tpu.memory_space<vmem>> -> memref<1x32xi32, #tpu.memory_space<vmem>>
        %dma_wait3A_54 = tpu.memref_squeeze %dma_wait3A_53 : memref<1x32xi32, #tpu.memory_space<vmem>> -> memref<32xi32, #tpu.memory_space<vmem>>
        %dma_wait3A_55 = arith.constant 0 : i32
        %dma_wait3A_56 = arith.constant 0 : i32
        %dma_wait3A_57 = tpu.memref_slice %arg2[%dma_wait3A_55, %dma_wait3A_56] : memref<10240x1024xf32, #tpu.memory_space<hbm>> -> memref<10240x1024xf32, #tpu.memory_space<hbm>>
        tpu.wait_indirect_dma semaphore(%run_scoped3A : memref<!tpu.dma_semaphore, #tpu.memory_space<semaphore_mem>>) src(%dma_wait3A_57 : memref<10240x1024xf32, #tpu.memory_space<hbm>>) dst(%arg6 : memref<32x1024xf32, #tpu.memory_space<vmem>>)
        tpu.yield
      }) : () -> ()
      %jit3A = arith.constant 4 : i32
      %div3A = arith.divsi %add3A_11, %jit3A : i32
      %sign3A = arith.constant 0 : i32
      %sign3A_12 = arith.cmpi sgt, %add3A_11, %sign3A : i32
      %sign3A_13 = arith.extui %sign3A_12 : i1 to i32
      %sign3A_14 = arith.constant 0 : i32
      %sign3A_15 = arith.cmpi slt, %add3A_11, %sign3A_14 : i32
      %sign3A_16 = arith.extui %sign3A_15 : i1 to i32
      %sign3A_17 = arith.subi %sign3A_13, %sign3A_16 : i32
      %sign3A_18 = arith.constant 0 : i32
      %sign3A_19 = arith.cmpi sgt, %jit3A, %sign3A_18 : i32
      %sign3A_20 = arith.extui %sign3A_19 : i1 to i32
      %sign3A_21 = arith.constant 0 : i32
      %sign3A_22 = arith.cmpi slt, %jit3A, %sign3A_21 : i32
      %sign3A_23 = arith.extui %sign3A_22 : i1 to i32
      %sign3A_24 = arith.subi %sign3A_20, %sign3A_23 : i32
      %ne3A = arith.cmpi ne, %sign3A_17, %sign3A_24 : i32
      %rem3A = arith.remsi %add3A_11, %jit3A : i32
      %ne3A_25 = arith.constant 0 : i32
      %ne3A_26 = arith.cmpi ne, %rem3A, %ne3A_25 : i32
      %and3A = arith.andi %ne3A, %ne3A_26 : i1
      %sub3A = arith.constant 1 : i32
      %sub3A_27 = arith.subi %div3A, %sub3A : i32
      %select_n3A = arith.select %and3A, %sub3A_27, %div3A : i32
      %mul3A_28 = arith.constant 4096 : i32
      %mul3A_29 = arith.muli %select_n3A, %mul3A_28 : i32
      %add3A_30 = arith.addi %mul3A_29, %mul3A_2 : i32
      %jit3A_31 = arith.constant 4 : i32
      %eq3A = arith.constant 0 : i32
      %eq3A_32 = arith.cmpi eq, %jit3A_31, %eq3A : i32
      %jit3A_33 = arith.constant 1 : i32
      %select_n3A_34 = arith.select %eq3A_32, %jit3A_33, %jit3A_31 : i32
      %rem3A_35 = arith.remsi %add3A_11, %select_n3A_34 : i32
      %ne3A_36 = arith.constant 0 : i32
      %ne3A_37 = arith.cmpi ne, %rem3A_35, %ne3A_36 : i32
      %lt3A = arith.constant 0 : i32
      %lt3A_38 = arith.cmpi slt, %rem3A_35, %lt3A : i32
      %lt3A_39 = arith.constant 0 : i32
      %lt3A_40 = arith.cmpi slt, %select_n3A_34, %lt3A_39 : i32
      %ne3A_41 = arith.xori %lt3A_38, %lt3A_40 : i1
      %and3A_42 = arith.andi %ne3A_41, %ne3A_37 : i1
      %add3A_43 = arith.addi %rem3A_35, %select_n3A_34 : i32
      %select_n3A_44 = arith.select %and3A_42, %add3A_43, %rem3A_35 : i32
      %mul3A_45 = arith.constant 32 : i32
      %mul3A_46 = arith.muli %select_n3A_44, %mul3A_45 : i32
      %add3A_47 = arith.addi %add3A_30, %mul3A_46 : i32
      "tpu.region"() ({
        %run_scoped3A = tpu.sem_alloc : memref<!tpu.dma_semaphore, #tpu.memory_space<semaphore_mem>>
        %dma_start3A = arith.constant 0 : i32
        %dma_start3A_48 = tpu.memref_slice %arg4[%add3A_47, %dma_start3A] : memref<8192x1024xf32, #tpu.memory_space<hbm>> -> memref<32x1024xf32, #tpu.memory_space<hbm>>
        %dma_start3A_49 = arith.constant 0 : i32
        %dma_start3A_50 = tpu.memref_slice %arg4[%add3A_47, %dma_start3A_49] : memref<8192x1024xf32, #tpu.memory_space<hbm>> -> memref<32x1024xf32, #tpu.memory_space<hbm>>
        tpu.enqueue_dma source(%arg6 : memref<32x1024xf32, #tpu.memory_space<vmem>>) target(%dma_start3A_50 : memref<32x1024xf32, #tpu.memory_space<hbm>>) target_semaphore(%run_scoped3A : memref<!tpu.dma_semaphore, #tpu.memory_space<semaphore_mem>>)
        %dma_wait3A = arith.constant 0 : i32
        %dma_wait3A_51 = tpu.memref_slice %arg4[%add3A_47, %dma_wait3A] : memref<8192x1024xf32, #tpu.memory_space<hbm>> -> memref<32x1024xf32, #tpu.memory_space<hbm>>
        %dma_wait3A_52 = arith.constant 0 : i32
        %dma_wait3A_53 = tpu.memref_slice %arg4[%add3A_47, %dma_wait3A_52] : memref<8192x1024xf32, #tpu.memory_space<hbm>> -> memref<32x1024xf32, #tpu.memory_space<hbm>>
        tpu.wait_dma2 semaphore(%run_scoped3A : memref<!tpu.dma_semaphore, #tpu.memory_space<semaphore_mem>>) src(%arg6 : memref<32x1024xf32, #tpu.memory_space<vmem>>) dst(%dma_wait3A_53 : memref<32x1024xf32, #tpu.memory_space<hbm>>)
        tpu.yield
      }) : () -> ()
    }
    %scan3A_6 = arith.constant 8 : i32
    return
  }
}

#map = affine_map<(d0, d1) -> (0, 0)>
#map1 = affine_map<(d0, d1) -> (0, 0, 0)>
module attributes {stable_mosaic.version = 14 : i64} {
  func.func @kern(%arg0: i32, %arg1: i32, %arg2: memref<4096x1024xf32, #tpu.memory_space<hbm>>, %arg3: memref<32x8x32xi32, #tpu.memory_space<hbm>>, %arg4: memref<10248x1024xf32, #tpu.memory_space<hbm>>, %arg5: memref<8x32xi32, #tpu.memory_space<vmem>>, %arg6: memref<32x1024xf32, #tpu.memory_space<vmem>>) attributes {dimension_semantics = [#tpu.dimension_semantics<core_parallel>, #tpu.dimension_semantics<subcore_parallel>], iteration_bounds = array<i64: 2, 16>, scalar_prefetch = 0 : i64, scratch_operands = 2 : i64, tpu.core_type = #tpu.core_type<sc_vector_subcore>, window_params = [{transform_indices = #map}, {transform_indices = #map1}, {transform_indices = #map}]} {
    %mul3A = arith.constant 2 : i32
    %mul3A_0 = arith.muli %arg1, %mul3A : i32
    %add3A = arith.addi %mul3A_0, %arg0 : i32
    "tpu.region"() ({
      %run_scoped3A = tpu.sem_alloc : memref<!tpu.dma_semaphore, #tpu.memory_space<semaphore_mem>>
      %dma_start3A = arith.constant 0 : i32
      %dma_start3A_7 = arith.constant 0 : i32
      %dma_start3A_8 = tpu.memref_slice %arg3[%add3A, %dma_start3A, %dma_start3A_7] : memref<32x8x32xi32, #tpu.memory_space<hbm>> -> memref<1x8x32xi32, #tpu.memory_space<hbm>>
      %dma_start3A_9 = tpu.memref_squeeze %dma_start3A_8 : memref<1x8x32xi32, #tpu.memory_space<hbm>> -> memref<8x32xi32, #tpu.memory_space<hbm>>
      %dma_start3A_10 = arith.constant 0 : i32
      %dma_start3A_11 = arith.constant 0 : i32
      %dma_start3A_12 = tpu.memref_slice %arg3[%add3A, %dma_start3A_10, %dma_start3A_11] : memref<32x8x32xi32, #tpu.memory_space<hbm>> -> memref<1x8x32xi32, #tpu.memory_space<hbm>>
      %dma_start3A_13 = tpu.memref_squeeze %dma_start3A_12 : memref<1x8x32xi32, #tpu.memory_space<hbm>> -> memref<8x32xi32, #tpu.memory_space<hbm>>
      tpu.enqueue_dma source(%dma_start3A_13 : memref<8x32xi32, #tpu.memory_space<hbm>>) target(%arg5 : memref<8x32xi32, #tpu.memory_space<vmem>>) target_semaphore(%run_scoped3A : memref<!tpu.dma_semaphore, #tpu.memory_space<semaphore_mem>>)
      %dma_wait3A = arith.constant 0 : i32
      %dma_wait3A_14 = arith.constant 0 : i32
      %dma_wait3A_15 = tpu.memref_slice %arg3[%add3A, %dma_wait3A, %dma_wait3A_14] : memref<32x8x32xi32, #tpu.memory_space<hbm>> -> memref<1x8x32xi32, #tpu.memory_space<hbm>>
      %dma_wait3A_16 = tpu.memref_squeeze %dma_wait3A_15 : memref<1x8x32xi32, #tpu.memory_space<hbm>> -> memref<8x32xi32, #tpu.memory_space<hbm>>
      %dma_wait3A_17 = arith.constant 0 : i32
      %dma_wait3A_18 = arith.constant 0 : i32
      %dma_wait3A_19 = tpu.memref_slice %arg3[%add3A, %dma_wait3A_17, %dma_wait3A_18] : memref<32x8x32xi32, #tpu.memory_space<hbm>> -> memref<1x8x32xi32, #tpu.memory_space<hbm>>
      %dma_wait3A_20 = tpu.memref_squeeze %dma_wait3A_19 : memref<1x8x32xi32, #tpu.memory_space<hbm>> -> memref<8x32xi32, #tpu.memory_space<hbm>>
      tpu.wait_dma2 semaphore(%run_scoped3A : memref<!tpu.dma_semaphore, #tpu.memory_space<semaphore_mem>>) src(%dma_wait3A_20 : memref<8x32xi32, #tpu.memory_space<hbm>>) dst(%arg5 : memref<8x32xi32, #tpu.memory_space<vmem>>)
      tpu.yield
    }) : () -> ()
    %mul3A_1 = arith.constant 128 : i32
    %mul3A_2 = arith.muli %add3A, %mul3A_1 : i32
    %scan3A = arith.constant 0 : i32
    %scan3A_3 = arith.constant 4 : i32
    %scan3A_4 = arith.addi %scan3A, %scan3A_3 : i32
    %scan3A_5 = arith.constant 1 : i32
    scf.for %scan3A_7 = %scan3A to %scan3A_4 step %scan3A_5  : i32 {
      %mul3A_8 = arith.constant 1 : i32
      %mul3A_9 = arith.muli %scan3A_7, %mul3A_8 : i32
      %add3A_10 = arith.constant 0 : i32
      %add3A_11 = arith.addi %add3A_10, %mul3A_9 : i32
      %mul3A_12 = arith.constant 32 : i32
      %mul3A_13 = arith.muli %add3A_11, %mul3A_12 : i32
      %add3A_14 = arith.addi %mul3A_2, %mul3A_13 : i32
      "tpu.region"() ({
        %run_scoped3A = tpu.sem_alloc : memref<!tpu.dma_semaphore, #tpu.memory_space<semaphore_mem>>
        %dma_start3A = arith.constant 0 : i32
        %dma_start3A_17 = tpu.memref_slice %arg2[%add3A_14, %dma_start3A] : memref<4096x1024xf32, #tpu.memory_space<hbm>> -> memref<32x1024xf32, #tpu.memory_space<hbm>>
        %dma_start3A_18 = arith.constant 0 : i32
        %dma_start3A_19 = tpu.memref_slice %arg2[%add3A_14, %dma_start3A_18] : memref<4096x1024xf32, #tpu.memory_space<hbm>> -> memref<32x1024xf32, #tpu.memory_space<hbm>>
        tpu.enqueue_dma source(%dma_start3A_19 : memref<32x1024xf32, #tpu.memory_space<hbm>>) target(%arg6 : memref<32x1024xf32, #tpu.memory_space<vmem>>) target_semaphore(%run_scoped3A : memref<!tpu.dma_semaphore, #tpu.memory_space<semaphore_mem>>)
        %dma_wait3A = arith.constant 0 : i32
        %dma_wait3A_20 = tpu.memref_slice %arg2[%add3A_14, %dma_wait3A] : memref<4096x1024xf32, #tpu.memory_space<hbm>> -> memref<32x1024xf32, #tpu.memory_space<hbm>>
        %dma_wait3A_21 = arith.constant 0 : i32
        %dma_wait3A_22 = tpu.memref_slice %arg2[%add3A_14, %dma_wait3A_21] : memref<4096x1024xf32, #tpu.memory_space<hbm>> -> memref<32x1024xf32, #tpu.memory_space<hbm>>
        tpu.wait_dma2 semaphore(%run_scoped3A : memref<!tpu.dma_semaphore, #tpu.memory_space<semaphore_mem>>) src(%dma_wait3A_22 : memref<32x1024xf32, #tpu.memory_space<hbm>>) dst(%arg6 : memref<32x1024xf32, #tpu.memory_space<vmem>>)
        tpu.yield
      }) : () -> ()
      "tpu.region"() ({
        %run_scoped3A = tpu.sem_alloc : memref<!tpu.dma_semaphore, #tpu.memory_space<semaphore_mem>>
        %dma_start3A = arith.constant 0 : i32
        %dma_start3A_17 = tpu.memref_slice %arg5[%add3A_11, %dma_start3A] : memref<8x32xi32, #tpu.memory_space<vmem>> -> memref<1x32xi32, #tpu.memory_space<vmem>>
        %dma_start3A_18 = tpu.memref_squeeze %dma_start3A_17 : memref<1x32xi32, #tpu.memory_space<vmem>> -> memref<32xi32, #tpu.memory_space<vmem>>
        %dma_start3A_19 = arith.constant 0 : i32
        %dma_start3A_20 = arith.constant 0 : i32
        %dma_start3A_21 = tpu.memref_slice %arg4[%dma_start3A_19, %dma_start3A_20] : memref<10248x1024xf32, #tpu.memory_space<hbm>> -> memref<10248x1024xf32, #tpu.memory_space<hbm>>
        tpu.enqueue_indirect_dma source(%arg6 : memref<32x1024xf32, #tpu.memory_space<vmem>>) target(%dma_start3A_21 : memref<10248x1024xf32, #tpu.memory_space<hbm>>) offsets(%dma_start3A_18 : memref<32xi32, #tpu.memory_space<vmem>>) semaphore(%run_scoped3A : memref<!tpu.dma_semaphore, #tpu.memory_space<semaphore_mem>>)
        %dma_wait3A = arith.constant 0 : i32
        %dma_wait3A_22 = tpu.memref_slice %arg5[%add3A_11, %dma_wait3A] : memref<8x32xi32, #tpu.memory_space<vmem>> -> memref<1x32xi32, #tpu.memory_space<vmem>>
        %dma_wait3A_23 = tpu.memref_squeeze %dma_wait3A_22 : memref<1x32xi32, #tpu.memory_space<vmem>> -> memref<32xi32, #tpu.memory_space<vmem>>
        %dma_wait3A_24 = arith.constant 0 : i32
        %dma_wait3A_25 = arith.constant 0 : i32
        %dma_wait3A_26 = tpu.memref_slice %arg4[%dma_wait3A_24, %dma_wait3A_25] : memref<10248x1024xf32, #tpu.memory_space<hbm>> -> memref<10248x1024xf32, #tpu.memory_space<hbm>>
        tpu.wait_indirect_dma semaphore(%run_scoped3A : memref<!tpu.dma_semaphore, #tpu.memory_space<semaphore_mem>>) src(%arg6 : memref<32x1024xf32, #tpu.memory_space<vmem>>) dst(%dma_wait3A_26 : memref<10248x1024xf32, #tpu.memory_space<hbm>>)
        tpu.yield
      }) : () -> ()
      %add3A_15 = arith.constant 4 : i32
      %add3A_16 = arith.addi %add3A_15, %add3A_11 : i32
      "tpu.region"() ({
        %run_scoped3A = tpu.sem_alloc : memref<!tpu.dma_semaphore, #tpu.memory_space<semaphore_mem>>
        %dma_start3A = arith.constant 0 : i32
        %dma_start3A_17 = tpu.memref_slice %arg5[%add3A_16, %dma_start3A] : memref<8x32xi32, #tpu.memory_space<vmem>> -> memref<1x32xi32, #tpu.memory_space<vmem>>
        %dma_start3A_18 = tpu.memref_squeeze %dma_start3A_17 : memref<1x32xi32, #tpu.memory_space<vmem>> -> memref<32xi32, #tpu.memory_space<vmem>>
        %dma_start3A_19 = arith.constant 0 : i32
        %dma_start3A_20 = arith.constant 0 : i32
        %dma_start3A_21 = tpu.memref_slice %arg4[%dma_start3A_19, %dma_start3A_20] : memref<10248x1024xf32, #tpu.memory_space<hbm>> -> memref<10248x1024xf32, #tpu.memory_space<hbm>>
        tpu.enqueue_indirect_dma source(%arg6 : memref<32x1024xf32, #tpu.memory_space<vmem>>) target(%dma_start3A_21 : memref<10248x1024xf32, #tpu.memory_space<hbm>>) offsets(%dma_start3A_18 : memref<32xi32, #tpu.memory_space<vmem>>) semaphore(%run_scoped3A : memref<!tpu.dma_semaphore, #tpu.memory_space<semaphore_mem>>)
        %dma_wait3A = arith.constant 0 : i32
        %dma_wait3A_22 = tpu.memref_slice %arg5[%add3A_16, %dma_wait3A] : memref<8x32xi32, #tpu.memory_space<vmem>> -> memref<1x32xi32, #tpu.memory_space<vmem>>
        %dma_wait3A_23 = tpu.memref_squeeze %dma_wait3A_22 : memref<1x32xi32, #tpu.memory_space<vmem>> -> memref<32xi32, #tpu.memory_space<vmem>>
        %dma_wait3A_24 = arith.constant 0 : i32
        %dma_wait3A_25 = arith.constant 0 : i32
        %dma_wait3A_26 = tpu.memref_slice %arg4[%dma_wait3A_24, %dma_wait3A_25] : memref<10248x1024xf32, #tpu.memory_space<hbm>> -> memref<10248x1024xf32, #tpu.memory_space<hbm>>
        tpu.wait_indirect_dma semaphore(%run_scoped3A : memref<!tpu.dma_semaphore, #tpu.memory_space<semaphore_mem>>) src(%arg6 : memref<32x1024xf32, #tpu.memory_space<vmem>>) dst(%dma_wait3A_26 : memref<10248x1024xf32, #tpu.memory_space<hbm>>)
        tpu.yield
      }) : () -> ()
    }
    %scan3A_6 = arith.constant 4 : i32
    return
  }
}

module attributes {stable_mosaic.version = 14 : i64} {
  func.func @_router_body(%arg0: i32, %arg1: i32, %arg2: memref<512x1024xf32, #tpu.memory_space<vmem>>, %arg3: memref<1024x128xf32, #tpu.memory_space<vmem>>, %arg4: memref<1x512x1xi32, #tpu.memory_space<vmem>>, %arg5: memref<1x512x1xi32, #tpu.memory_space<vmem>>, %arg6: memref<1x512x1xf32, #tpu.memory_space<vmem>>, %arg7: memref<1x512x1xf32, #tpu.memory_space<vmem>>, %arg8: memref<1x128xf32, #tpu.memory_space<vmem>>, %arg9: memref<1x128xf32, #tpu.memory_space<vmem>>) attributes {dimension_semantics = [#tpu.dimension_semantics<arbitrary>, #tpu.dimension_semantics<arbitrary>], iteration_bounds = array<i64: 2, 8>, scalar_prefetch = 0 : i64, scratch_operands = 1 : i64, tpu.core_type = #tpu.core_type<tc>, window_params = [{transform_indices = @transform_0, window_bounds = array<i64: 512, 1024>}, {pipeline_mode = #tpu.pipeline_mode<synchronous>, transform_indices = @transform_1, window_bounds = array<i64: 1024, 128>}, {transform_indices = @transform_2, window_bounds = array<i64: 1, 512, 1>}, {transform_indices = @transform_3, window_bounds = array<i64: 1, 512, 1>}, {transform_indices = @transform_4, window_bounds = array<i64: 1, 512, 1>}, {transform_indices = @transform_5, window_bounds = array<i64: 1, 512, 1>}, {pipeline_mode = #tpu.pipeline_mode<synchronous>, transform_indices = @transform_6, window_bounds = array<i64: 1, 128>}]} {
    %eq3A = arith.constant 0 : i32
    %eq3A_0 = arith.cmpi eq, %arg0, %eq3A : i32
    %eq3A_1 = arith.constant 0 : i32
    %eq3A_2 = arith.cmpi eq, %arg1, %eq3A_1 : i32
    %and3A = arith.andi %eq3A_0, %eq3A_2 : i1
    %convert_element_type3A = arith.extui %and3A : i1 to i32
    %cond3A = arith.constant 0 : i32
    %cond3A_3 = arith.cmpi ne, %convert_element_type3A, %cond3A : i32
    scf.if %cond3A_3 {
      %broadcast_in_dim3A_130 = arith.constant 0.000000e+00 : f32
      %broadcast_in_dim3A_131 = vector.broadcast %broadcast_in_dim3A_130 : f32 to vector<1x128xf32>
      %swap3A_132 = arith.constant 0 : index
      %swap3A_133 = arith.constant 0 : index
      %swap3A_134 = vector.load %arg9[%swap3A_132, %swap3A_133] : memref<1x128xf32, #tpu.memory_space<vmem>>, vector<1x128xf32>
      tpu.vector_store %arg9[%swap3A_132, %swap3A_133], %broadcast_in_dim3A_131 {strides = array<i32>} : memref<1x128xf32, #tpu.memory_space<vmem>>, vector<1x128xf32>,
    } else {
    }
    %get3A = arith.constant 0 : index
    %get3A_4 = arith.constant 0 : index
    %get3A_5 = vector.load %arg2[%get3A, %get3A_4] : memref<512x1024xf32, #tpu.memory_space<vmem>>, vector<512x1024xf32>
    %get3A_6 = arith.constant 0 : index
    %get3A_7 = arith.constant 0 : index
    %get3A_8 = vector.load %arg3[%get3A_6, %get3A_7] : memref<1024x128xf32, #tpu.memory_space<vmem>>, vector<1024x128xf32>
    %dot_general3A = arith.constant dense<0.000000e+00> : vector<512x128xf32>
    %dot_general3A_9 = tpu.matmul %get3A_5, %get3A_8, %dot_general3A {dimension_numbers = #tpu.dot_dimension_numbers<[1], [0], [0], [1], [0, 0, 1, 1], [], []>, transpose_lhs_hint = false} : vector<512x1024xf32>, vector<1024x128xf32>, vector<512x128xf32> -> vector<512x128xf32>
    %iota3A = tpu.iota {dimensions = array<i32: 1>} : vector<512x128xi32>
    %lt3A = arith.constant 8 : i32
    %lt3A_10 = vector.broadcast %lt3A : i32 to vector<512x128xi32>
    %lt3A_11 = arith.cmpi slt, %iota3A, %lt3A_10 : vector<512x128xi32>
    %jit3A = arith.constant -1.000000e+30 : f32
    %broadcast_in_dim3A = vector.broadcast %jit3A : f32 to vector<512x128xf32>
    %select_n3A = arith.select %lt3A_11, %dot_general3A_9, %broadcast_in_dim3A : vector<512x128xi1>, vector<512x128xf32>
    %reduce_max3A = arith.constant dense<0xFF800000> : vector<512xf32>
    %reduce_max3A_12 = vector.multi_reduction <maximumf>, %select_n3A, %reduce_max3A [1] : vector<512x128xf32> to vector<512xf32>
    %broadcast_in_dim3A_13 = vector.shape_cast %reduce_max3A_12 : vector<512xf32> to vector<512x1xf32>
    %sub3A = vector.broadcast %broadcast_in_dim3A_13 : vector<512x1xf32> to vector<512x128xf32>
    %sub3A_14 = arith.subf %select_n3A, %sub3A : vector<512x128xf32>
    %exp3A = math.exp %sub3A_14 : vector<512x128xf32>
    %jit3A_15 = arith.constant 0.000000e+00 : f32
    %broadcast_in_dim3A_16 = vector.broadcast %jit3A_15 : f32 to vector<512x128xf32>
    %select_n3A_17 = arith.select %lt3A_11, %exp3A, %broadcast_in_dim3A_16 : vector<512x128xi1>, vector<512x128xf32>
    %reduce_sum3A = arith.constant dense<0.000000e+00> : vector<512xf32>
    %reduce_sum3A_18 = vector.multi_reduction <add>, %select_n3A_17, %reduce_sum3A [1] : vector<512x128xf32> to vector<512xf32>
    %broadcast_in_dim3A_19 = vector.shape_cast %reduce_sum3A_18 : vector<512xf32> to vector<512x1xf32>
    %div3A = vector.broadcast %broadcast_in_dim3A_19 : vector<512x1xf32> to vector<512x128xf32>
    %div3A_20 = arith.divf %select_n3A_17, %div3A : vector<512x128xf32>
    %reduce_max3A_21 = arith.constant dense<0xFF800000> : vector<512xf32>
    %reduce_max3A_22 = vector.multi_reduction <maximumf>, %div3A_20, %reduce_max3A_21 [1] : vector<512x128xf32> to vector<512xf32>
    %broadcast_in_dim3A_23 = vector.shape_cast %reduce_max3A_22 : vector<512xf32> to vector<512x1xf32>
    %eq3A_24 = vector.broadcast %broadcast_in_dim3A_23 : vector<512x1xf32> to vector<512x128xf32>
    %eq3A_25 = arith.cmpf oeq, %div3A_20, %eq3A_24 : vector<512x128xf32>
    %jit3A_26 = arith.constant 128 : i32
    %broadcast_in_dim3A_27 = vector.broadcast %jit3A_26 : i32 to vector<512x128xi32>
    %select_n3A_28 = arith.select %eq3A_25, %iota3A, %broadcast_in_dim3A_27 : vector<512x128xi1>, vector<512x128xi32>
    %reduce_min3A = arith.constant dense<2147483647> : vector<512xi32>
    %reduce_min3A_29 = vector.multi_reduction <minsi>, %select_n3A_28, %reduce_min3A [1] : vector<512x128xi32> to vector<512xi32>
    %broadcast_in_dim3A_30 = vector.shape_cast %reduce_min3A_29 : vector<512xi32> to vector<512x1xi32>
    %eq3A_31 = vector.broadcast %broadcast_in_dim3A_30 : vector<512x1xi32> to vector<512x128xi32>
    %eq3A_32 = arith.cmpi eq, %iota3A, %eq3A_31 : vector<512x128xi32>
    %jit3A_33 = arith.constant -1.000000e+00 : f32
    %broadcast_in_dim3A_34 = vector.broadcast %jit3A_33 : f32 to vector<512x128xf32>
    %select_n3A_35 = arith.select %eq3A_32, %broadcast_in_dim3A_34, %div3A_20 : vector<512x128xi1>, vector<512x128xf32>
    %reduce_max3A_36 = arith.constant dense<0xFF800000> : vector<512xf32>
    %reduce_max3A_37 = vector.multi_reduction <maximumf>, %select_n3A_35, %reduce_max3A_36 [1] : vector<512x128xf32> to vector<512xf32>
    %broadcast_in_dim3A_38 = vector.shape_cast %reduce_max3A_37 : vector<512xf32> to vector<512x1xf32>
    %eq3A_39 = vector.broadcast %broadcast_in_dim3A_38 : vector<512x1xf32> to vector<512x128xf32>
    %eq3A_40 = arith.cmpf oeq, %select_n3A_35, %eq3A_39 : vector<512x128xf32>
    %jit3A_41 = arith.constant 128 : i32
    %broadcast_in_dim3A_42 = vector.broadcast %jit3A_41 : i32 to vector<512x128xi32>
    %select_n3A_43 = arith.select %eq3A_40, %iota3A, %broadcast_in_dim3A_42 : vector<512x128xi1>, vector<512x128xi32>
    %reduce_min3A_44 = arith.constant dense<2147483647> : vector<512xi32>
    %reduce_min3A_45 = vector.multi_reduction <minsi>, %select_n3A_43, %reduce_min3A_44 [1] : vector<512x128xi32> to vector<512xi32>
    %broadcast_in_dim3A_46 = vector.shape_cast %reduce_min3A_45 : vector<512xi32> to vector<512x1xi32>
    %add3A = arith.addf %broadcast_in_dim3A_23, %broadcast_in_dim3A_38 : vector<512x1xf32>
    %add3A_47 = arith.constant 9.99999971E-10 : f32
    %add3A_48 = vector.broadcast %add3A_47 : f32 to vector<512x1xf32>
    %add3A_49 = arith.addf %add3A, %add3A_48 : vector<512x1xf32>
    %eq3A_50 = arith.constant 0 : i32
    %eq3A_51 = arith.cmpi eq, %arg0, %eq3A_50 : i32
    %select_n3A_52 = arith.select %eq3A_51, %broadcast_in_dim3A_23, %broadcast_in_dim3A_38 : vector<512x1xf32>
    %div3A_53 = arith.divf %select_n3A_52, %add3A_49 : vector<512x1xf32>
    %eq3A_54 = arith.constant 0 : i32
    %eq3A_55 = arith.cmpi eq, %arg0, %eq3A_54 : i32
    %select_n3A_56 = arith.select %eq3A_55, %broadcast_in_dim3A_30, %broadcast_in_dim3A_46 : vector<512x1xi32>
    %eq3A_57 = vector.broadcast %select_n3A_56 : vector<512x1xi32> to vector<512x128xi32>
    %eq3A_58 = arith.cmpi eq, %iota3A, %eq3A_57 : vector<512x128xi32>
    %convert_element_type3A_59 = arith.extui %eq3A_58 : vector<512x128xi1> to vector<512x128xi32>
    %convert_element_type3A_60 = arith.sitofp %convert_element_type3A_59 : vector<512x128xi32> to vector<512x128xf32>
    %iota3A_61 = tpu.iota {dimensions = array<i32: 0>} : vector<512x512xi32>
    %iota3A_62 = tpu.iota {dimensions = array<i32: 1>} : vector<512x512xi32>
    %lt3A_63 = arith.cmpi slt, %iota3A_62, %iota3A_61 : vector<512x512xi32>
    %convert_element_type3A_64 = arith.extui %lt3A_63 : vector<512x512xi1> to vector<512x512xi32>
    %convert_element_type3A_65 = arith.sitofp %convert_element_type3A_64 : vector<512x512xi32> to vector<512x512xf32>
    %dot_general3A_66 = arith.constant dense<0.000000e+00> : vector<512x128xf32>
    %dot_general3A_67 = tpu.matmul %convert_element_type3A_65, %convert_element_type3A_60, %dot_general3A_66 {dimension_numbers = #tpu.dot_dimension_numbers<[1], [0], [0], [1], [0, 0, 1, 1], [], []>, transpose_lhs_hint = false} : vector<512x512xf32>, vector<512x128xf32>, vector<512x128xf32> -> vector<512x128xf32>
    %get3A_68 = arith.constant 0 : index
    %get3A_69 = arith.constant 0 : index
    %get3A_70 = vector.load %arg9[%get3A_68, %get3A_69] : memref<1x128xf32, #tpu.memory_space<vmem>>, vector<1x128xf32>
    %add3A_71 = vector.broadcast %get3A_70 : vector<1x128xf32> to vector<512x128xf32>
    %add3A_72 = arith.addf %dot_general3A_67, %add3A_71 : vector<512x128xf32>
    %mul3A = arith.mulf %add3A_72, %convert_element_type3A_60 : vector<512x128xf32>
    %reduce_sum3A_73 = arith.constant dense<0.000000e+00> : vector<512xf32>
    %reduce_sum3A_74 = vector.multi_reduction <add>, %mul3A, %reduce_sum3A_73 [1] : vector<512x128xf32> to vector<512xf32>
    %broadcast_in_dim3A_75 = vector.shape_cast %reduce_sum3A_74 : vector<512xf32> to vector<512x1xf32>
    %convert_element_type3A_76 = arith.fptosi %broadcast_in_dim3A_75 : vector<512x1xf32> to vector<512x1xi32>
    %get3A_77 = arith.constant 0 : index
    %get3A_78 = arith.constant 0 : index
    %get3A_79 = vector.load %arg9[%get3A_77, %get3A_78] : memref<1x128xf32, #tpu.memory_space<vmem>>, vector<1x128xf32>
    %reduce_sum3A_80 = arith.constant dense<0.000000e+00> : vector<128xf32>
    %reduce_sum3A_81 = vector.multi_reduction <add>, %convert_element_type3A_60, %reduce_sum3A_80 [0] : vector<512x128xf32> to vector<128xf32>
    %broadcast_in_dim3A_82 = vector.shape_cast %reduce_sum3A_81 : vector<128xf32> to vector<1x128xf32>
    %add3A_83 = arith.addf %get3A_79, %broadcast_in_dim3A_82 : vector<1x128xf32>
    %swap3A = arith.constant 0 : index
    %swap3A_84 = arith.constant 0 : index
    %swap3A_85 = vector.load %arg9[%swap3A, %swap3A_84] : memref<1x128xf32, #tpu.memory_space<vmem>>, vector<1x128xf32>
    tpu.vector_store %arg9[%swap3A, %swap3A_84], %add3A_83 {strides = array<i32>} : memref<1x128xf32, #tpu.memory_space<vmem>>, vector<1x128xf32>,
    %get3A_86 = arith.constant 0 : index
    %get3A_87 = arith.constant 0 : index
    %get3A_88 = vector.load %arg9[%get3A_86, %get3A_87] : memref<1x128xf32, #tpu.memory_space<vmem>>, vector<1x128xf32>
    %swap3A_89 = arith.constant 0 : index
    %swap3A_90 = arith.constant 0 : index
    %swap3A_91 = vector.load %arg8[%swap3A_89, %swap3A_90] : memref<1x128xf32, #tpu.memory_space<vmem>>, vector<1x128xf32>
    tpu.vector_store %arg8[%swap3A_89, %swap3A_90], %get3A_88 {strides = array<i32>} : memref<1x128xf32, #tpu.memory_space<vmem>>, vector<1x128xf32>,
    %lt3A_92 = arith.constant 1280 : i32
    %lt3A_93 = vector.broadcast %lt3A_92 : i32 to vector<512x1xi32>
    %lt3A_94 = arith.cmpi slt, %convert_element_type3A_76, %lt3A_93 : vector<512x1xi32>
    %mul3A_95 = arith.constant 1280 : i32
    %mul3A_96 = vector.broadcast %mul3A_95 : i32 to vector<512x1xi32>
    %mul3A_97 = arith.muli %select_n3A_56, %mul3A_96 : vector<512x1xi32>
    %add3A_98 = arith.addi %mul3A_97, %convert_element_type3A_76 : vector<512x1xi32>
    %jit3A_99 = arith.constant 10240 : i32
    %broadcast_in_dim3A_100 = vector.broadcast %jit3A_99 : i32 to vector<512x1xi32>
    %select_n3A_101 = arith.select %lt3A_94, %add3A_98, %broadcast_in_dim3A_100 : vector<512x1xi1>, vector<512x1xi32>
    %broadcast_in_dim3A_102 = vector.shape_cast %select_n3A_101 : vector<512x1xi32> to vector<1x512x1xi32>
    %swap3A_103 = arith.constant 0 : index
    %swap3A_104 = arith.constant 0 : index
    %swap3A_105 = arith.constant 0 : index
    %swap3A_106 = vector.load %arg4[%swap3A_103, %swap3A_104, %swap3A_105] : memref<1x512x1xi32, #tpu.memory_space<vmem>>, vector<1x512x1xi32>
    tpu.vector_store %arg4[%swap3A_103, %swap3A_104, %swap3A_105], %broadcast_in_dim3A_102 {strides = array<i32>} : memref<1x512x1xi32, #tpu.memory_space<vmem>>, vector<1x512x1xi32>,
    %jit3A_107 = arith.constant 0 : i32
    %broadcast_in_dim3A_108 = vector.broadcast %jit3A_107 : i32 to vector<512x1xi32>
    %select_n3A_109 = arith.select %lt3A_94, %add3A_98, %broadcast_in_dim3A_108 : vector<512x1xi1>, vector<512x1xi32>
    %broadcast_in_dim3A_110 = vector.shape_cast %select_n3A_109 : vector<512x1xi32> to vector<1x512x1xi32>
    %swap3A_111 = arith.constant 0 : index
    %swap3A_112 = arith.constant 0 : index
    %swap3A_113 = arith.constant 0 : index
    %swap3A_114 = vector.load %arg5[%swap3A_111, %swap3A_112, %swap3A_113] : memref<1x512x1xi32, #tpu.memory_space<vmem>>, vector<1x512x1xi32>
    tpu.vector_store %arg5[%swap3A_111, %swap3A_112, %swap3A_113], %broadcast_in_dim3A_110 {strides = array<i32>} : memref<1x512x1xi32, #tpu.memory_space<vmem>>, vector<1x512x1xi32>,
    %jit3A_115 = arith.constant 0.000000e+00 : f32
    %broadcast_in_dim3A_116 = vector.broadcast %jit3A_115 : f32 to vector<512x1xf32>
    %select_n3A_117 = arith.select %lt3A_94, %div3A_53, %broadcast_in_dim3A_116 : vector<512x1xi1>, vector<512x1xf32>
    %broadcast_in_dim3A_118 = vector.shape_cast %select_n3A_117 : vector<512x1xf32> to vector<1x512x1xf32>
    %swap3A_119 = arith.constant 0 : index
    %swap3A_120 = arith.constant 0 : index
    %swap3A_121 = arith.constant 0 : index
    %swap3A_122 = vector.load %arg6[%swap3A_119, %swap3A_120, %swap3A_121] : memref<1x512x1xf32, #tpu.memory_space<vmem>>, vector<1x512x1xf32>
    tpu.vector_store %arg6[%swap3A_119, %swap3A_120, %swap3A_121], %broadcast_in_dim3A_118 {strides = array<i32>} : memref<1x512x1xf32, #tpu.memory_space<vmem>>, vector<1x512x1xf32>,
    %convert_element_type3A_123 = arith.extui %lt3A_94 : vector<512x1xi1> to vector<512x1xi32>
    %convert_element_type3A_124 = arith.sitofp %convert_element_type3A_123 : vector<512x1xi32> to vector<512x1xf32>
    %broadcast_in_dim3A_125 = vector.shape_cast %convert_element_type3A_124 : vector<512x1xf32> to vector<1x512x1xf32>
    %swap3A_126 = arith.constant 0 : index
    %swap3A_127 = arith.constant 0 : index
    %swap3A_128 = arith.constant 0 : index
    %swap3A_129 = vector.load %arg7[%swap3A_126, %swap3A_127, %swap3A_128] : memref<1x512x1xf32, #tpu.memory_space<vmem>>, vector<1x512x1xf32>
    tpu.vector_store %arg7[%swap3A_126, %swap3A_127, %swap3A_128], %broadcast_in_dim3A_125 {strides = array<i32>} : memref<1x512x1xf32, #tpu.memory_space<vmem>>, vector<1x512x1xf32>,
    return
  }
  func.func @transform_0(%arg0: i32, %arg1: i32) -> (i32, i32) {
    %c0_i32 = arith.constant 0 : i32
    %c0_i32_0 = arith.constant 0 : i32
    return %arg1, %c0_i32 : i32, i32
  }
  func.func @transform_1(%arg0: i32, %arg1: i32) -> (i32, i32) {
    %c0_i32 = arith.constant 0 : i32
    %c0_i32_0 = arith.constant 0 : i32
    %c0_i32_1 = arith.constant 0 : i32
    return %c0_i32, %c0_i32_0 : i32, i32
  }
  func.func @transform_2(%arg0: i32, %arg1: i32) -> (i32, i32, i32) {
    %mul3A = arith.constant 8 : i32
    %mul3A_0 = arith.muli %arg0, %mul3A : i32
    %add3A = arith.addi %mul3A_0, %arg1 : i32
    %c0_i32 = arith.constant 0 : i32
    %c0_i32_1 = arith.constant 0 : i32
    %c0_i32_2 = arith.constant 0 : i32
    return %add3A, %c0_i32, %c0_i32_1 : i32, i32, i32
  }
  func.func @transform_3(%arg0: i32, %arg1: i32) -> (i32, i32, i32) {
    %mul3A = arith.constant 8 : i32
    %mul3A_0 = arith.muli %arg0, %mul3A : i32
    %add3A = arith.addi %mul3A_0, %arg1 : i32
    %c0_i32 = arith.constant 0 : i32
    %c0_i32_1 = arith.constant 0 : i32
    %c0_i32_2 = arith.constant 0 : i32
    return %add3A, %c0_i32, %c0_i32_1 : i32, i32, i32
  }
  func.func @transform_4(%arg0: i32, %arg1: i32) -> (i32, i32, i32) {
    %mul3A = arith.constant 8 : i32
    %mul3A_0 = arith.muli %arg0, %mul3A : i32
    %add3A = arith.addi %mul3A_0, %arg1 : i32
    %c0_i32 = arith.constant 0 : i32
    %c0_i32_1 = arith.constant 0 : i32
    %c0_i32_2 = arith.constant 0 : i32
    return %add3A, %c0_i32, %c0_i32_1 : i32, i32, i32
  }
  func.func @transform_5(%arg0: i32, %arg1: i32) -> (i32, i32, i32) {
    %mul3A = arith.constant 8 : i32
    %mul3A_0 = arith.muli %arg0, %mul3A : i32
    %add3A = arith.addi %mul3A_0, %arg1 : i32
    %c0_i32 = arith.constant 0 : i32
    %c0_i32_1 = arith.constant 0 : i32
    %c0_i32_2 = arith.constant 0 : i32
    return %add3A, %c0_i32, %c0_i32_1 : i32, i32, i32
  }
  func.func @transform_6(%arg0: i32, %arg1: i32) -> (i32, i32) {
    %c0_i32 = arith.constant 0 : i32
    %c0_i32_0 = arith.constant 0 : i32
    %c0_i32_1 = arith.constant 0 : i32
    return %c0_i32, %c0_i32_0 : i32, i32
  }
}

module attributes {stable_mosaic.version = 14 : i64} {
  func.func @_ffn_body(%arg0: i32, %arg1: i32, %arg2: memref<1280x1024xf32, #tpu.memory_space<vmem>>, %arg3: memref<1x2048x1024xf32, #tpu.memory_space<vmem>>, %arg4: memref<1x1x2048xf32, #tpu.memory_space<vmem>>, %arg5: memref<1x1024x2048xf32, #tpu.memory_space<vmem>>, %arg6: memref<1x1x1024xf32, #tpu.memory_space<vmem>>, %arg7: memref<1280x1024xf32, #tpu.memory_space<vmem>>, %arg8: memref<1280x1024xbf16, #tpu.memory_space<vmem>>) attributes {dimension_semantics = [#tpu.dimension_semantics<parallel>, #tpu.dimension_semantics<arbitrary>], iteration_bounds = array<i64: 8, 2>, scalar_prefetch = 0 : i64, scratch_operands = 1 : i64, tpu.core_type = #tpu.core_type<tc>, window_params = [{transform_indices = @transform_0, window_bounds = array<i64: 1280, 1024>}, {transform_indices = @transform_1, window_bounds = array<i64: 1, 2048, 1024>}, {transform_indices = @transform_2, window_bounds = array<i64: 1, 1, 2048>}, {transform_indices = @transform_3, window_bounds = array<i64: 1, 1024, 2048>}, {transform_indices = @transform_4, window_bounds = array<i64: 1, 1, 1024>}, {transform_indices = @transform_5, window_bounds = array<i64: 1280, 1024>}]} {
    %eq3A = arith.constant 0 : i32
    %eq3A_0 = arith.cmpi eq, %arg1, %eq3A : i32
    %convert_element_type3A = arith.extui %eq3A_0 : i1 to i32
    %cond3A = arith.constant 0 : i32
    %cond3A_1 = arith.cmpi ne, %convert_element_type3A, %cond3A : i32
    scf.if %cond3A_1 {
      %get3A_39 = arith.constant 0 : index
      %get3A_40 = arith.constant 0 : index
      %get3A_41 = vector.load %arg2[%get3A_39, %get3A_40] : memref<1280x1024xf32, #tpu.memory_space<vmem>>, vector<1280x1024xf32>
      %convert_element_type3A_42 = arith.truncf %get3A_41 : vector<1280x1024xf32> to vector<1280x1024xbf16>
      %swap3A_43 = arith.constant 0 : index
      %swap3A_44 = arith.constant 0 : index
      %swap3A_45 = vector.load %arg8[%swap3A_43, %swap3A_44] : memref<1280x1024xbf16, #tpu.memory_space<vmem>>, vector<1280x1024xbf16>
      tpu.vector_store %arg8[%swap3A_43, %swap3A_44], %convert_element_type3A_42 {strides = array<i32>} : memref<1280x1024xbf16, #tpu.memory_space<vmem>>, vector<1280x1024xbf16>,
    } else {
    }
    %eq3A_2 = arith.constant 0 : i32
    %eq3A_3 = arith.cmpi eq, %arg1, %eq3A_2 : i32
    %convert_element_type3A_4 = arith.extui %eq3A_3 : i1 to i32
    %cond3A_5 = arith.constant 0 : i32
    %cond3A_6 = arith.cmpi ne, %convert_element_type3A_4, %cond3A_5 : i32
    scf.if %cond3A_6 {
      %get3A_39 = arith.constant 0 : index
      %get3A_40 = arith.constant 0 : index
      %get3A_41 = arith.constant 0 : index
      %get3A_42 = vector.load %arg6[%get3A_39, %get3A_40, %get3A_41] : memref<1x1x1024xf32, #tpu.memory_space<vmem>>, vector<1x1x1024xf32>
      %get3A_43 = vector.shape_cast %get3A_42 : vector<1x1x1024xf32> to vector<1x1024xf32>
      %broadcast_in_dim3A = vector.shape_cast %get3A_43 : vector<1x1024xf32> to vector<1x1024xf32>
      %broadcast_in_dim3A_44 = vector.broadcast %broadcast_in_dim3A : vector<1x1024xf32> to vector<1280x1024xf32>
      %swap3A_45 = arith.constant 0 : index
      %swap3A_46 = arith.constant 0 : index
      %swap3A_47 = vector.load %arg7[%swap3A_45, %swap3A_46] : memref<1280x1024xf32, #tpu.memory_space<vmem>>, vector<1280x1024xf32>
      tpu.vector_store %arg7[%swap3A_45, %swap3A_46], %broadcast_in_dim3A_44 {strides = array<i32>} : memref<1280x1024xf32, #tpu.memory_space<vmem>>, vector<1280x1024xf32>,
    } else {
    }
    %get3A = arith.constant 0 : index
    %get3A_7 = arith.constant 0 : index
    %get3A_8 = vector.load %arg8[%get3A, %get3A_7] : memref<1280x1024xbf16, #tpu.memory_space<vmem>>, vector<1280x1024xbf16>
    %get3A_9 = arith.constant 0 : index
    %get3A_10 = arith.constant 0 : index
    %get3A_11 = arith.constant 0 : index
    %get3A_12 = vector.load %arg3[%get3A_9, %get3A_10, %get3A_11] : memref<1x2048x1024xf32, #tpu.memory_space<vmem>>, vector<1x2048x1024xf32>
    %get3A_13 = vector.shape_cast %get3A_12 : vector<1x2048x1024xf32> to vector<2048x1024xf32>
    %convert_element_type3A_14 = arith.truncf %get3A_13 : vector<2048x1024xf32> to vector<2048x1024xbf16>
    %dot_general3A = arith.constant dense<0.000000e+00> : vector<1280x2048xf32>
    %dot_general3A_15 = tpu.matmul %get3A_8, %convert_element_type3A_14, %dot_general3A {dimension_numbers = #tpu.dot_dimension_numbers<[1], [1], [0], [0], [0, 0, 1, 0], [], []>, transpose_lhs_hint = false} : vector<1280x1024xbf16>, vector<2048x1024xbf16>, vector<1280x2048xf32> -> vector<1280x2048xf32>
    %get3A_16 = arith.constant 0 : index
    %get3A_17 = arith.constant 0 : index
    %get3A_18 = arith.constant 0 : index
    %get3A_19 = vector.load %arg4[%get3A_16, %get3A_17, %get3A_18] : memref<1x1x2048xf32, #tpu.memory_space<vmem>>, vector<1x1x2048xf32>
    %get3A_20 = vector.shape_cast %get3A_19 : vector<1x1x2048xf32> to vector<1x2048xf32>
    %add3A = vector.broadcast %get3A_20 : vector<1x2048xf32> to vector<1280x2048xf32>
    %add3A_21 = arith.addf %dot_general3A_15, %add3A : vector<1280x2048xf32>
    %max3A = arith.constant 0.000000e+00 : f32
    %max3A_22 = vector.broadcast %max3A : f32 to vector<1280x2048xf32>
    %max3A_23 = arith.maximumf %add3A_21, %max3A_22 : vector<1280x2048xf32>
    %convert_element_type3A_24 = arith.truncf %max3A_23 : vector<1280x2048xf32> to vector<1280x2048xbf16>
    %get3A_25 = arith.constant 0 : index
    %get3A_26 = arith.constant 0 : index
    %get3A_27 = arith.constant 0 : index
    %get3A_28 = vector.load %arg5[%get3A_25, %get3A_26, %get3A_27] : memref<1x1024x2048xf32, #tpu.memory_space<vmem>>, vector<1x1024x2048xf32>
    %get3A_29 = vector.shape_cast %get3A_28 : vector<1x1024x2048xf32> to vector<1024x2048xf32>
    %convert_element_type3A_30 = arith.truncf %get3A_29 : vector<1024x2048xf32> to vector<1024x2048xbf16>
    %get3A_31 = arith.constant 0 : index
    %get3A_32 = arith.constant 0 : index
    %get3A_33 = vector.load %arg7[%get3A_31, %get3A_32] : memref<1280x1024xf32, #tpu.memory_space<vmem>>, vector<1280x1024xf32>
    %dot_general3A_34 = arith.constant dense<0.000000e+00> : vector<1280x1024xf32>
    %dot_general3A_35 = tpu.matmul %convert_element_type3A_24, %convert_element_type3A_30, %dot_general3A_34 {dimension_numbers = #tpu.dot_dimension_numbers<[1], [1], [0], [0], [0, 0, 1, 0], [], []>, transpose_lhs_hint = false} : vector<1280x2048xbf16>, vector<1024x2048xbf16>, vector<1280x1024xf32> -> vector<1280x1024xf32>
    %add3A_36 = arith.addf %get3A_33, %dot_general3A_35 : vector<1280x1024xf32>
    %swap3A = arith.constant 0 : index
    %swap3A_37 = arith.constant 0 : index
    %swap3A_38 = vector.load %arg7[%swap3A, %swap3A_37] : memref<1280x1024xf32, #tpu.memory_space<vmem>>, vector<1280x1024xf32>
    tpu.vector_store %arg7[%swap3A, %swap3A_37], %add3A_36 {strides = array<i32>} : memref<1280x1024xf32, #tpu.memory_space<vmem>>, vector<1280x1024xf32>,
    return
  }
  func.func @transform_0(%arg0: i32, %arg1: i32) -> (i32, i32) {
    %c0_i32 = arith.constant 0 : i32
    %c0_i32_0 = arith.constant 0 : i32
    return %arg0, %c0_i32 : i32, i32
  }
  func.func @transform_1(%arg0: i32, %arg1: i32) -> (i32, i32, i32) {
    %c0_i32 = arith.constant 0 : i32
    %c0_i32_0 = arith.constant 0 : i32
    return %arg0, %arg1, %c0_i32 : i32, i32, i32
  }
  func.func @transform_2(%arg0: i32, %arg1: i32) -> (i32, i32, i32) {
    %c0_i32 = arith.constant 0 : i32
    %c0_i32_0 = arith.constant 0 : i32
    return %arg0, %c0_i32, %arg1 : i32, i32, i32
  }
  func.func @transform_3(%arg0: i32, %arg1: i32) -> (i32, i32, i32) {
    %c0_i32 = arith.constant 0 : i32
    %c0_i32_0 = arith.constant 0 : i32
    return %arg0, %c0_i32, %arg1 : i32, i32, i32
  }
  func.func @transform_4(%arg0: i32, %arg1: i32) -> (i32, i32, i32) {
    %c0_i32 = arith.constant 0 : i32
    %c0_i32_0 = arith.constant 0 : i32
    %c0_i32_1 = arith.constant 0 : i32
    return %arg0, %c0_i32, %c0_i32_0 : i32, i32, i32
  }
  func.func @transform_5(%arg0: i32, %arg1: i32) -> (i32, i32) {
    %c0_i32 = arith.constant 0 : i32
    %c0_i32_0 = arith.constant 0 : i32
    return %arg0, %c0_i32 : i32, i32
  }
}

module attributes {stable_mosaic.version = 14 : i64} {
  func.func @_combine_body(%arg0: i32, %arg1: memref<512x1024xf32, #tpu.memory_space<vmem>>, %arg2: memref<512x1024xf32, #tpu.memory_space<vmem>>, %arg3: memref<1x512x1xf32, #tpu.memory_space<vmem>>, %arg4: memref<1x512x1xf32, #tpu.memory_space<vmem>>, %arg5: memref<1x512x1xf32, #tpu.memory_space<vmem>>, %arg6: memref<1x512x1xf32, #tpu.memory_space<vmem>>, %arg7: memref<512x1024xf32, #tpu.memory_space<vmem>>) attributes {dimension_semantics = [#tpu.dimension_semantics<parallel>], iteration_bounds = array<i64: 8>, scalar_prefetch = 0 : i64, scratch_operands = 0 : i64, tpu.core_type = #tpu.core_type<tc>, window_params = [{transform_indices = @transform_0, window_bounds = array<i64: 512, 1024>}, {transform_indices = @transform_1, window_bounds = array<i64: 512, 1024>}, {transform_indices = @transform_2, window_bounds = array<i64: 1, 512, 1>}, {transform_indices = @transform_3, window_bounds = array<i64: 1, 512, 1>}, {transform_indices = @transform_4, window_bounds = array<i64: 1, 512, 1>}, {transform_indices = @transform_5, window_bounds = array<i64: 1, 512, 1>}, {transform_indices = @transform_6, window_bounds = array<i64: 512, 1024>}]} {
    %get3A = arith.constant 0 : index
    %get3A_0 = arith.constant 0 : index
    %get3A_1 = arith.constant 0 : index
    %get3A_2 = vector.load %arg5[%get3A, %get3A_0, %get3A_1] : memref<1x512x1xf32, #tpu.memory_space<vmem>>, vector<1x512x1xf32>
    %get3A_3 = vector.shape_cast %get3A_2 : vector<1x512x1xf32> to vector<512x1xf32>
    %gt3A = arith.constant 5.000000e-01 : f32
    %gt3A_4 = vector.broadcast %gt3A : f32 to vector<512x1xf32>
    %gt3A_5 = arith.cmpf ogt, %get3A_3, %gt3A_4 : vector<512x1xf32>
    %get3A_6 = arith.constant 0 : index
    %get3A_7 = arith.constant 0 : index
    %get3A_8 = arith.constant 0 : index
    %get3A_9 = vector.load %arg6[%get3A_6, %get3A_7, %get3A_8] : memref<1x512x1xf32, #tpu.memory_space<vmem>>, vector<1x512x1xf32>
    %get3A_10 = vector.shape_cast %get3A_9 : vector<1x512x1xf32> to vector<512x1xf32>
    %gt3A_11 = arith.constant 5.000000e-01 : f32
    %gt3A_12 = vector.broadcast %gt3A_11 : f32 to vector<512x1xf32>
    %gt3A_13 = arith.cmpf ogt, %get3A_10, %gt3A_12 : vector<512x1xf32>
    %get3A_14 = arith.constant 0 : index
    %get3A_15 = arith.constant 0 : index
    %get3A_16 = vector.load %arg1[%get3A_14, %get3A_15] : memref<512x1024xf32, #tpu.memory_space<vmem>>, vector<512x1024xf32>
    %jit3A = arith.constant 0.000000e+00 : f32
    %broadcast_in_dim3A = vector.shape_cast %gt3A_5 : vector<512x1xi1> to vector<512x1xi1>
    %broadcast_in_dim3A_17 = vector.broadcast %broadcast_in_dim3A : vector<512x1xi1> to vector<512x1024xi1>
    %broadcast_in_dim3A_18 = vector.broadcast %jit3A : f32 to vector<512x1024xf32>
    %select_n3A = arith.select %broadcast_in_dim3A_17, %get3A_16, %broadcast_in_dim3A_18 : vector<512x1024xi1>, vector<512x1024xf32>
    %get3A_19 = arith.constant 0 : index
    %get3A_20 = arith.constant 0 : index
    %get3A_21 = arith.constant 0 : index
    %get3A_22 = vector.load %arg3[%get3A_19, %get3A_20, %get3A_21] : memref<1x512x1xf32, #tpu.memory_space<vmem>>, vector<1x512x1xf32>
    %get3A_23 = vector.shape_cast %get3A_22 : vector<1x512x1xf32> to vector<512x1xf32>
    %mul3A = vector.broadcast %get3A_23 : vector<512x1xf32> to vector<512x1024xf32>
    %mul3A_24 = arith.mulf %select_n3A, %mul3A : vector<512x1024xf32>
    %get3A_25 = arith.constant 0 : index
    %get3A_26 = arith.constant 0 : index
    %get3A_27 = vector.load %arg2[%get3A_25, %get3A_26] : memref<512x1024xf32, #tpu.memory_space<vmem>>, vector<512x1024xf32>
    %jit3A_28 = arith.constant 0.000000e+00 : f32
    %broadcast_in_dim3A_29 = vector.shape_cast %gt3A_13 : vector<512x1xi1> to vector<512x1xi1>
    %broadcast_in_dim3A_30 = vector.broadcast %broadcast_in_dim3A_29 : vector<512x1xi1> to vector<512x1024xi1>
    %broadcast_in_dim3A_31 = vector.broadcast %jit3A_28 : f32 to vector<512x1024xf32>
    %select_n3A_32 = arith.select %broadcast_in_dim3A_30, %get3A_27, %broadcast_in_dim3A_31 : vector<512x1024xi1>, vector<512x1024xf32>
    %get3A_33 = arith.constant 0 : index
    %get3A_34 = arith.constant 0 : index
    %get3A_35 = arith.constant 0 : index
    %get3A_36 = vector.load %arg4[%get3A_33, %get3A_34, %get3A_35] : memref<1x512x1xf32, #tpu.memory_space<vmem>>, vector<1x512x1xf32>
    %get3A_37 = vector.shape_cast %get3A_36 : vector<1x512x1xf32> to vector<512x1xf32>
    %mul3A_38 = vector.broadcast %get3A_37 : vector<512x1xf32> to vector<512x1024xf32>
    %mul3A_39 = arith.mulf %select_n3A_32, %mul3A_38 : vector<512x1024xf32>
    %add3A = arith.addf %mul3A_24, %mul3A_39 : vector<512x1024xf32>
    %swap3A = arith.constant 0 : index
    %swap3A_40 = arith.constant 0 : index
    %swap3A_41 = vector.load %arg7[%swap3A, %swap3A_40] : memref<512x1024xf32, #tpu.memory_space<vmem>>, vector<512x1024xf32>
    tpu.vector_store %arg7[%swap3A, %swap3A_40], %add3A {strides = array<i32>} : memref<512x1024xf32, #tpu.memory_space<vmem>>, vector<512x1024xf32>,
    return
  }
  func.func @transform_0(%arg0: i32) -> (i32, i32) {
    %c0_i32 = arith.constant 0 : i32
    %c0_i32_0 = arith.constant 0 : i32
    return %arg0, %c0_i32 : i32, i32
  }
  func.func @transform_1(%arg0: i32) -> (i32, i32) {
    %add3A = arith.constant 8 : i32
    %add3A_0 = arith.addi %arg0, %add3A : i32
    %c0_i32 = arith.constant 0 : i32
    %c0_i32_1 = arith.constant 0 : i32
    return %add3A_0, %c0_i32 : i32, i32
  }
  func.func @transform_2(%arg0: i32) -> (i32, i32, i32) {
    %c0_i32 = arith.constant 0 : i32
    %c0_i32_0 = arith.constant 0 : i32
    %c0_i32_1 = arith.constant 0 : i32
    return %c0_i32, %arg0, %c0_i32_0 : i32, i32, i32
  }
  func.func @transform_3(%arg0: i32) -> (i32, i32, i32) {
    %c1_i32 = arith.constant 1 : i32
    %c0_i32 = arith.constant 0 : i32
    %c0_i32_0 = arith.constant 0 : i32
    return %c1_i32, %arg0, %c0_i32 : i32, i32, i32
  }
  func.func @transform_4(%arg0: i32) -> (i32, i32, i32) {
    %c0_i32 = arith.constant 0 : i32
    %c0_i32_0 = arith.constant 0 : i32
    %c0_i32_1 = arith.constant 0 : i32
    return %c0_i32, %arg0, %c0_i32_0 : i32, i32, i32
  }
  func.func @transform_5(%arg0: i32) -> (i32, i32, i32) {
    %c1_i32 = arith.constant 1 : i32
    %c0_i32 = arith.constant 0 : i32
    %c0_i32_0 = arith.constant 0 : i32
    return %c1_i32, %arg0, %c0_i32 : i32, i32, i32
  }
  func.func @transform_6(%arg0: i32) -> (i32, i32) {
    %c0_i32 = arith.constant 0 : i32
    %c0_i32_0 = arith.constant 0 : i32
    return %arg0, %c0_i32 : i32, i32
  }
}

</mosaic_0001>

<sc_bundles>
// kernel: kernel.10.cloned.1.call-start
scs
__scs_entry_jumppad:
0x0: {  	(pc) =	sbr.rel $0x88, $3  }
0x1: {  	(tag) =	ssettag $0x0;
	lr =	simm.s32 $0x1  }
0x2: {  	[smem:$0x3F9B] =	sst lr;
	_ =	strace $0xD0000000  }
0x3: {  	_ = 	snop  }
0x4: {  	_ = 	snop  }
0x5: {  	_ = 	snop  }
0x6: {  	_ = 	snop  }
0x7: {  	_ = 	snop  }
__scs_overlays_trampoline_lowered:
0x8: {  	[smem:$0x3FAA] =	sst s0  }
0x9: {  	[smem:$0x3FAB] =	sst s1  }
0xa: {  	[smem:$0x3FAC] =	sst s2  }
0xb: {  	[smem:$0x3FAD] =	sst s3  }
0xc: {  	[smem:$0x3FAE] =	sst s4  }
0xd: {  	[smem:$0x3FAF] =	sst s5  }
0xe: {  	[smem:$0x3FB0] =	sst s6  }
0xf: {  	[smem:$0x3FB1] =	sst s7  }
0x10: {  	[smem:$0x3FB2] =	sst s8  }
0x11: {  	[smem:$0x3FB3] =	sst s9;
	s0 =	simm.s32 @!p0 $0x0  }
0x12: {  	s1 =	sld [smem:$0x3F99];
	s0 =	simm.s32 @p0 $0x1  }
0x13: {  	[smem:$0x3FB4] =	sst s0;
	s0 =	simm.s32 @!p1 $0x0  }
0x14: {  	s2 =	sld [smem:$0x3F98];
	s0 =	simm.s32 @p1 $0x1  }
0x15: {  	[smem:$0x3FB5] =	sst s0;
	s0 =	simm.s32 @!p2 $0x0  }
0x16: {  	s3 =	sld [smem:$0x3FDB];
	s0 =	simm.s32 @p2 $0x1  }
0x17: {  	s4 =	simm.s32 $0x1BF5;
	[smem:$0x3FB7] =	sst s0  }
0x18: {  	s0 =	sld [smem:$0x3F9A];
	_ =	swait.ge [sflag:s4], $0x0  }
0x19: {  	s7 =	sld [smem:$0x3F9B]  }
0x1a: {  	s8 =	sadd.s32 $0xFFFFE003, lr  }
0x1b: {  	s9 =	sadd.s32 $0xFFFFFEF7, lr;
	s5 =	simm.s32 $0xFFFFFFFF;
	p2 =	slt.u32 s8, $0xFFFFF086  }
0x1c: {  	p1 =	slt.u32 s9, $0xF7A;
	s5 =	simm.s32 @!p2 $0x0  }
0x1d: {  	s5 =	simm.s32 @p1 $0x1;
	p0 =	seq.s32 s7, s2  }
0x1e: {  	s7 =	smul.u32 @!p0 $0xF7A, s2;
	p2 =	seq.s32 @!p0 s5, $0x0  }
0x1f: {  	s9 =	smul.u32 $0xF7A, s1;
	s8 =	simm.s32 @!p0 $0x1BF5;
	p2 =	por !p2, p0  }
0x20: {  	[sflag:s8] =	ssyncset.s32 @!p0 $0xFFFFF086;
	s6 =	sadd.s32 @!p0 s3, s7;
	s7 =	simm.s32 @!p0 $0x108  }
0x21: {  	s3 =	sadd.s32 s3, s9;
	s6 =	sadd.s32 @!p0 $0x88, s6;
	s7 =	simm.s32 @p2 $0x1082  }
0x22: {  	[simem:s7], [sflag:s8] =	dma.local @!p0 [hbm:s6], $0xF7A  }
0x23: {  	s9 =	sor.u32 $0xD0000000, s2;
	s6 =	simm.s32 $0x108;
	_ =	swait.ge @!p0 [sflag:s8], $0x0  }
0x24: {  	s3 =	sadd.s32 $0x88, s3;
	s6 =	simm.s32 @!p1 $0x1082;
	[sflag:s4] =	ssyncset.s32 $0xFFFFF086  }
0x25: {  	[simem:s6], [sflag:s4] =	dma.local [hbm:s3], $0xF7A  }
0x26: {  	[smem:$0x3F9B] =	sst s1;
	(tag) =	ssettag s2;
	_ =	strace s9  }
0x27: {  	s1 =	sld [smem:$0x3FAB]  }
0x28: {  	s2 =	sld [smem:$0x3FAC]  }
0x29: {  	s4 =	sld [smem:$0x3FAE]  }
0x2a: {  	p0 =	seq.s32 s5, $0x0;
	s5 =	sld [smem:$0x3FAF]  }
0x2b: {  	s6 =	sld [smem:$0x3FB0]  }
0x2c: {  	s7 =	sld [smem:$0x3FB1]  }
0x2d: {  	s3 =	simm.s32 $0x108;
	s8 =	sld [smem:$0x3FB2]  }
0x2e: {  	s3 =	simm.s32 @!p0 $0x1082;
	s9 =	sld [smem:$0x3FB3]  }
0x2f: {  	lr =	sadd.s32 s0, s3;
	s0 =	sld [smem:$0x3FAA]  }
0x30: {  	s3 =	sld [smem:$0x3FAD]  }
0x31: {  	[smem:$0x3FB6] =	sst s10  }
0x32: {  	s10 =	sld [smem:$0x3FB4];
	_ =	sdelay $0x3  }
0x33: {  	p0 =	seq.s32 s10, $0x1;
	s10 =	sld [smem:$0x3FB6];
	_ =	sdelay $0x3  }
0x34: {  	[smem:$0x3FB6] =	sst s10  }
0x35: {  	s10 =	sld [smem:$0x3FB5];
	_ =	sdelay $0x3  }
0x36: {  	p1 =	seq.s32 s10, $0x1;
	s10 =	sld [smem:$0x3FB6];
	_ =	sdelay $0x3  }
0x37: {  	[smem:$0x3FB6] =	sst s10  }
0x38: {  	s10 =	sld [smem:$0x3FB7]  }
0x39: {  	_ = 	snop;
	(pc) =	sbr.ind lr, $3  }
0x3a: {  	_ = 	snop  }
0x3b: {  	_ = 	snop  }
0x3c: {  	p2 =	seq.s32 s10, $0x1;
	s10 =	sld [smem:$0x3FB6]  }
0x3d: {  	_ =	shalt  }
0x3e: {  	_ =	shalt  }
0x3f: {  	_ =	shalt  }
0x40: {  	_ =	shalt  }
0x41: {  	_ =	shalt  }
0x42: {  	_ =	shalt  }
0x43: {  	_ =	shalt  }
0x44: {  	_ =	shalt  }
0x45: {  	_ =	shalt  }
0x46: {  	_ =	shalt  }
0x47: {  	_ =	shalt  }
0x48: {  	_ =	shalt  }
0x49: {  	_ =	shalt  }
0x4a: {  	_ =	shalt  }
0x4b: {  	_ =	shalt  }
0x4c: {  	_ =	shalt  }
0x4d: {  	_ =	shalt  }
0x4e: {  	_ =	shalt  }
0x4f: {  	_ =	shalt  }
0x50: {  	_ =	shalt  }
0x51: {  	_ =	shalt  }
0x52: {  	_ =	shalt  }
0x53: {  	_ =	shalt  }
0x54: {  	_ =	shalt  }
0x55: {  	_ =	shalt  }
0x56: {  	_ =	shalt  }
0x57: {  	_ =	shalt  }
0x58: {  	_ =	shalt  }
0x59: {  	_ =	shalt  }
0x5a: {  	_ =	shalt  }
0x5b: {  	_ =	shalt  }
0x5c: {  	_ =	shalt  }
0x5d: {  	_ =	shalt  }
0x5e: {  	_ =	shalt  }
0x5f: {  	_ =	shalt  }
0x60: {  	_ =	shalt  }
0x61: {  	_ =	shalt  }
0x62: {  	_ =	shalt  }
0x63: {  	_ =	shalt  }
0x64: {  	_ =	shalt  }
0x65: {  	_ =	shalt  }
0x66: {  	_ =	shalt  }
0x67: {  	_ =	shalt  }
0x68: {  	_ =	shalt  }
0x69: {  	_ =	shalt  }
0x6a: {  	_ =	shalt  }
0x6b: {  	_ =	shalt  }
0x6c: {  	_ =	shalt  }
0x6d: {  	_ =	shalt  }
0x6e: {  	_ =	shalt  }
0x6f: {  	_ =	shalt  }
0x70: {  	_ =	shalt  }
0x71: {  	_ =	shalt  }
0x72: {  	_ =	shalt  }
0x73: {  	_ =	shalt  }
0x74: {  	_ =	shalt  }
0x75: {  	_ =	shalt  }
0x76: {  	_ =	shalt  }
0x77: {  	_ =	shalt  }
0x78: {  	_ =	shalt  }
0x79: {  	_ =	shalt  }
0x7a: {  	_ =	shalt  }
0x7b: {  	_ =	shalt  }
0x7c: {  	_ =	shalt  }
0x7d: {  	_ =	shalt  }
0x7e: {  	_ =	shalt  }
0x7f: {  	_ =	shalt  }
0x80: {  	_ =	shalt  }
0x81: {  	_ =	shalt  }
0x82: {  	_ =	shalt  }
0x83: {  	_ =	shalt  }
0x84: {  	_ =	shalt  }
0x85: {  	_ =	shalt  }
0x86: {  	_ =	shalt  }
0x87: {  	_ =	shalt  }
.Lfunc_end0:
.L_simem_size_0:
called_computation.1_lowered:
.L_overlay_start_0:
0x88: {  	s2 =	sld [smem:$0x3FD9]  }
0x89: {  	s3 =	sld [smem:$0x3FFE];
	_ =	sdelay $0x1  }
0x8a: {  	s1 =	srdreg.scid  }
0x8b: {  	s0 =	sand.u32 $0x1, s1  }
0x8c: {  	s16 =	sshll.u32 s0, $0xA;
	s2 =	sadd.s32 s3, s2  }
0x8d: {  	s2 =	sadd.s32 s2, s16  }
0x8e: {  	[smem:$0x3FC2] =	sst s2  }
0x8f: {  	_ = 	snop  }
0x90: {  	(tm) =	ssettm $0x1  }
0x91: {  	s17 =	sld [smem:$0x3FFB];
	_ =	sdelay $0x3  }
0x92: {  	_ =	strace s17  }
0x93: {  	s2 =	sld [smem:$0x3FFC];
	_ =	sdelay $0x3  }
0x94: {  	_ =	strace s2  }
0x95: {  	s2 =	sld [smem:$0x3FFD];
	_ =	sdelay $0x3  }
0x96: {  	_ =	strace s2  }
0x97: {  	_ =	strace $0x8FFFFFFF  }
0x98: {  	s18 =	sld [smem:$0x3FDB];
	_ =	sdelay $0x1  }
0x99: {  	s19 =	simm.s32 $_scs_section_size  }
0x9a: {  	s4 =	simm.s32 $_size__tile_overlayer_lowered;
	s5 =	simm.s32 $_tile_overlayer_lowered  }
0x9b: {  	s22 =	simm.s32 $0x1BFF;
	s21 =	sshll.u32 s5, $0x1;
	s2 =	sadd.s32 s19, s18  }
0x9c: {  	s6 =	simm.s32 $0x0;
	s20 =	sshll.u32 s4, $0x1;
	s4 =	sadd.s32 s21, s2  }
0x9d: {  	[timem:s6], [sflag:s22] =	dma.local [hbm:s4], s20  }
0x9e: {  	_ =	swait.ge [sflag:s22], s20  }
0x9f: {  	s3 =	ssub.s32 $0x0, s20;
	[sflag:s22] =	ssyncset.done $0x0  }
0xa0: {  	[sflag:s22] =	ssyncadd.s32 s3;
	_ =	sdelay $0x1  }
0xa1: {  	s23 =	simm.s32 $0x1B8B  }
0xa2: {  	_ =	swait.ge [sflag:s23], $0x1  }
0xa3: {  	[sflag:s23] =	ssyncset.done $0x0  }
0xa4: {  	s25 =	simm.s32 $0x1B8E;
	s24 =	sld [smem:$0x3FFE];
	[sflag:s23] =	ssyncadd.s32 $0xFFFFFFFF  }
0xa5: {  	s26 =	simm.s32 $execute0_lowered;
	[smem:$0x3FD2] =	sst s25  }
0xa6: {  	s4 =	sshll.u32 s26, $0x1;
	_ =	strace $0x80000049;
	[dreg:$0x1] =	wrdreg $0xFFFFFFFF  }
0xa7: {  	s28 =	simm.s32 $_size_execute0_lowered;
	s2 =	sadd.s32 s2, s4;
	[dreg:$0x0] =	wrdreg $0x0  }
0xa8: {  	s4 =	sshll.u32 s28, $0x1;
	[dreg:$0x2] =	wrdreg s2  }
0xa9: {  	[dreg:$0x3] =	wrdreg s4  }
0xaa: {  	[dreg:$0x4] =	wrdreg $0xC0  }
0xab: {  	_ =	task [dreg:s6], $0x5FFFF  }
0xac: {  	[dreg:$0x1] =	wrdreg $0xFFFFFFFF  }
0xad: {  	[dreg:$0x0] =	wrdreg $0x60  }
0xae: {  	[dreg:$0x2] =	wrdreg s24  }
0xaf: {  	[dreg:$0x3] =	wrdreg $0x9  }
0xb0: {  	_ =	task.clear_ibuf [dreg:s6], $0x4FFFF;
	_ =	strace $0x90000049  }
0xb1: {  	s29 =	simm.s32 $0x9;
	_ =	strace $0x8000004B  }
0xb2: {  	_ =	swait.ge [sflag:s29], $0x1  }
0xb3: {  	[sflag:s29] =	ssyncadd.s32 $0xFFFFFFFF  }
0xb4: {  	_ =	strace $0x9000004B  }
0xb5: {  	_ =	sfence  }
0xb6: {  	s30 =	sld [smem:$0x0];
	_ =	sdelay $0x2  }
0xb7: {  	s31 =	sshll.u32 s1, $0xD;
	s1 =	sshrl.u32 s1, $0x2  }
0xb8: {  	s3 =	sand.u32 $0x4000, s31;
	s1 =	sadd.s32 s1, s30  }
0xb9: {  	s0 =	sor.u32 s3, s0;
	s1 =	sshll.u32 s1, $0x11  }
0xba: {  	s0 =	sor.u32 s1, s0  }
0xbb: {  	s0 =	sadd.s32 $0x8F2B, s0  }
0xbc: {  	[sflag:s0] =	ssyncadd.remote.s32 $0x1  }
0xbd: {  	_ =	sfence.sel $0xFFFF  }
0xbe: {  	[dreg:$0x0] =	wrdreg $0xFFFFFFFF;
	(pc) =	sbr.abs _section_cstart, $3  }
0xbf: {  	[dreg:$0x1] =	wrdreg $0xFFFFFFFF  }
0xc0: {  	_ =	task.clear_ibuf [dreg:s6], $0x2FFFF;
	_ =	strace $0x9FFFFFFF  }
0xc1: {  	(tm) =	ssettm $0x7FFFFFFF  }
tec
execute0_lowered:
.L_overlay_start_1:
0x0: {  	(tag) =	ssettag $0x1  }
0x1: {  	s7 =	rddreg [dreg:$0x0];
	s2 =	simm.s32 $0x0;
	s3 =	srdreg.scid  }
0x2: {  	s1 =	stileid.u32;
	s11 =	simm.s32 $0xC00;
	s12 =	simm.s32 $0x1400  }
0x3: {  	s13 =	simm.s32 $0x1C00;
	s14 =	simm.s32 $0x2400;
	s15 =	simm.s32 $0x2C00  }
0x4: {  	s16 =	simm.s32 $0x3400;
	s17 =	simm.s32 $0x3C00;
	s18 =	simm.s32 $0x4400  }
0x5: {  	s19 =	simm.s32 $0x4C00;
	s20 =	simm.s32 $0x5400;
	s21 =	simm.s32 $0x5C00  }
0x6: {  	s22 =	simm.s32 $0x6400;
	s23 =	simm.s32 $0x6C00;
	s24 =	simm.s32 $0x7400  }
0x7: {  	s25 =	simm.s32 $0x7C00;
	s26 =	simm.s32 $0x0;
	[smem:$0x7FF] =	sst s2  }
0x8: {  	s4 =	sand.u32 $0x1, s3;
	s31 =	sshll.u32 s1, $0x1;
	s3 =	sadd.s32 $0x164400, s7  }
0x9: {  	_ =	strace $0x8000004A;
	s5 =	sor.u32 s4, s31;
	s9 =	ssub.s32 $0x2, s4  }
0xa: {  	s6 =	sshll.u32 s5, $0x7;
	s5 =	sshll.u32 s5, $0xE;
	s10 =	sshrl.u32 s9, $0x1  }
0xb: {  	s6 =	sadd.s32 s6, s7;
	s8 =	sadd.s32 s5, s7;
	s5 =	sadd.s32 $0x164500, s7  }
0xc: {  	v2 =	vlaneseq.u32;
	s9 =	ssub.s32 s9, s10;
	s4 =	sadd.s32 $0x163400, s6;
	s6 =	sadd.s32 $0x164600, s7  }
0xd: {  	vm0 =	vmmov $0xffff;
	v1 =	vshrl.u32 v2, $0x3;
	s10 =	simm.s32 $0x400;
	s8 =	sadd.s32 $0x20C00, s8;
	s7 =	sadd.s32 $0x164700, s7  }
0xe: {  	v0 =	vand.u32 $0x7, v2;
	v2 =	vor.u32 $0x8, v2;
	v1 =	vmul.u32 $0x8, v1;
	[dreg:$0x2] =	wrdreg s8;
	s8 =	smax.u32 s9, $0x1;
	s9 =	simm.s32 $0x1  }
.LBB2_1:
0xf: {  	[tilespmem:s2], [sflag:$0x1] =	stream.linear.gather [hbm4b:s4+s2], $0x400, $0x38;
	[tilespmem:$0x8400] =	vst v63  }
0x10: {  	_ =	swait.ge [sflag:s9], $0x400  }
0x11: {  	s28 =	simm.s32 $0x10;
	[sflag:s9] =	ssyncset.done $0x0  }
0x12: {  	s29 =	simm.s32 $0x0;
	s30 =	simm.s32 $0x0;
	[sflag:s9] =	ssyncadd.s32 $0xFFFFFC00  }
.LBB2_2:
0x13: {  	v3 =	vld [tilespmem:s28+$0xFFFFFFF0];
	_ =	sdelay $0x4  }
0x14: {  	v4 =	vshll.u32 v3, $0x3  }
0x15: {  	v3 =	vand.u32 $0x7, v3;
	v4 =	vand.u32 $0xFFFFFFC0, v4  }
0x16: {  	v3 =	vor.u32 v3, v4  }
0x17: {  	v4 =	vperm.xlane v3, v0;
	_ =	sdelay $0x1  }
0x18: {  	v4 =	vadd.s32 v1, v4;
	_ =	sdelay $0x4  }
0x19: {  	[tilespmem:s10], [sflag:$0x1] =	stream.indirect_vreg.gather [hbm4b:s3+s2], $0x80, v4, vm0, $0xb8;
	[tilespmem:$0x8400] =	vst v63  }
0x1a: {  	v3 =	vperm.xlane v3, v2  }
0x1b: {  	[tilespmem:s11], [sflag:$0x1] =	stream.indirect_vreg.gather [hbm4b:s5+s2], $0x80, v4, vm0, $0xb8;
	[tilespmem:$0x8400] =	vst v63  }
0x1c: {  	v3 =	vadd.s32 v1, v3  }
0x1d: {  	[tilespmem:s12], [sflag:$0x1] =	stream.indirect_vreg.gather [hbm4b:s6+s2], $0x80, v4, vm0, $0xb8;
	[tilespmem:$0x8400] =	vst v63  }
0x1e: {  	_ = 	snop  }
0x1f: {  	[tilespmem:s13], [sflag:$0x1] =	stream.indirect_vreg.gather [hbm4b:s7+s2], $0x80, v4, vm0, $0xb8;
	[tilespmem:$0x8400] =	vst v63  }
0x20: {  	_ = 	snop  }
0x21: {  	[tilespmem:s14], [sflag:$0x1] =	stream.indirect_vreg.gather [hbm4b:s3+s2], $0x80, v3, vm0, $0xb8;
	[tilespmem:$0x8400] =	vst v63  }
0x22: {  	_ = 	snop  }
0x23: {  	[tilespmem:s15], [sflag:$0x1] =	stream.indirect_vreg.gather [hbm4b:s5+s2], $0x80, v3, vm0, $0xb8;
	[tilespmem:$0x8400] =	vst v63  }
0x24: {  	_ = 	snop  }
0x25: {  	[tilespmem:s16], [sflag:$0x1] =	stream.indirect_vreg.gather [hbm4b:s6+s2], $0x80, v3, vm0, $0xb8;
	[tilespmem:$0x8400] =	vst v63  }
0x26: {  	_ = 	snop  }
0x27: {  	[tilespmem:s17], [sflag:$0x1] =	stream.indirect_vreg.gather [hbm4b:s7+s2], $0x80, v3, vm0, $0xb8;
	[tilespmem:$0x8400] =	vst v63  }
0x28: {  	v3 =	vld [tilespmem:s28+$0x0];
	_ =	sdelay $0x4  }
0x29: {  	v63 =	vshll.u32 v3, $0x3  }
0x2a: {  	v3 =	vand.u32 $0x7, v3;
	v4 =	vand.u32 $0xFFFFFFC0, v63  }
0x2b: {  	v3 =	vor.u32 v3, v4  }
0x2c: {  	v4 =	vperm.xlane v3, v0;
	_ =	sdelay $0x1  }
0x2d: {  	v4 =	vadd.s32 v1, v4;
	_ =	sdelay $0x4  }
0x2e: {  	[tilespmem:s18], [sflag:$0x1] =	stream.indirect_vreg.gather [hbm4b:s3+s2], $0x80, v4, vm0, $0xb8;
	[tilespmem:$0x8400] =	vst v63  }
0x2f: {  	v3 =	vperm.xlane v3, v2  }
0x30: {  	[tilespmem:s19], [sflag:$0x1] =	stream.indirect_vreg.gather [hbm4b:s5+s2], $0x80, v4, vm0, $0xb8;
	[tilespmem:$0x8400] =	vst v63  }
0x31: {  	v3 =	vadd.s32 v1, v3  }
0x32: {  	[tilespmem:s20], [sflag:$0x1] =	stream.indirect_vreg.gather [hbm4b:s6+s2], $0x80, v4, vm0, $0xb8;
	[tilespmem:$0x8400] =	vst v63  }
0x33: {  	_ = 	snop  }
0x34: {  	[tilespmem:s21], [sflag:$0x1] =	stream.indirect_vreg.gather [hbm4b:s7+s2], $0x80, v4, vm0, $0xb8;
	[tilespmem:$0x8400] =	vst v63  }
0x35: {  	_ = 	snop  }
0x36: {  	[tilespmem:s22], [sflag:$0x1] =	stream.indirect_vreg.gather [hbm4b:s3+s2], $0x80, v3, vm0, $0xb8;
	[tilespmem:$0x8400] =	vst v63  }
0x37: {  	_ = 	snop  }
0x38: {  	[tilespmem:s23], [sflag:$0x1] =	stream.indirect_vreg.gather [hbm4b:s5+s2], $0x80, v3, vm0, $0xb8;
	[tilespmem:$0x8400] =	vst v63  }
0x39: {  	_ = 	snop  }
0x3a: {  	[tilespmem:s24], [sflag:$0x1] =	stream.indirect_vreg.gather [hbm4b:s6+s2], $0x80, v3, vm0, $0xb8;
	[tilespmem:$0x8400] =	vst v63  }
0x3b: {  	_ = 	snop  }
0x3c: {  	[tilespmem:s25], [sflag:$0x1] =	stream.indirect_vreg.gather [hbm4b:s7+s2], $0x80, v3, vm0, $0xb8;
	[tilespmem:$0x8400] =	vst v63  }
0x3d: {  	_ =	swait.ge [sflag:s9], $0x8000  }
0x3e: {  	s0 =	sand.u32 $0x80000, s29;
	p0 =	sne.s32 s30, $0x7000;
	s31 =	rddreg [dreg:$0x2]  }
0x3f: {  	[sflag:s9] =	ssyncset.done $0x0;
	s0 =	sadd.s32 s0, s31;
	s31 =	sand.u32 $0x3000, s30  }
.Ltmp0:
0x40: {  	[sflag:s9] =	ssyncadd.s32 $0xFFFF8000;
	s0 =	sadd.s32 s31, s0;
	(pc) =	sbr.rel @p0 .LBB2_2-.Ltmp0, $4  }
0x41: {  	[hbm4b:s0+s2] =	stream.linear.scatter [tilespmem:s10], [sflag:$0x1], $0x8000, $0x38;
	[tilespmem:$0x8400] =	vst v63  }
0x42: {  	_ =	swait.ge [sflag:s9], $0x8000  }
0x43: {  	s29 =	sadd.s32 $0x20000, s29;
	[sflag:s9] =	ssyncset.done $0x0  }
0x44: {  	s28 =	sadd.s32 $0x80, s28;
	s30 =	sadd.s32 $0x1000, s30;
	[sflag:s9] =	ssyncadd.s32 $0xFFFF8000  }
0x45: {  	s26 =	sadd.s32 $0x1, s26  }
0x46: {  	p0 =	sne.s32 s26, s8  }
.Ltmp1:
0x47: {  	_ = 	snop;
	(pc) =	sbr.rel @p0 .LBB2_1-.Ltmp1, $1  }
0x48: {  	_ =	sdelay $0x3  }
0x49: {  	_ =	sfence.sel $0x180000  }
0x4a: {  	[bflag:$0x0] =	sbarrier.arrive $0xFFFF  }
0x4b: {  	_ =	strace $0x9000004A  }
0x4c: {  	[bflag:$0x2] =	sbarrier.arrive $0xFFFF  }
0x4d: {  	p0 =	sne.s32 s1, $0x0;
	s0 =	rddreg [dreg:$0x1]  }
0x4e: {  	s0 =	sadd.s32 @!p0 $0x100000, s0  }
0x4f: {  	[sflag:s0] =	ssyncadd.tile.s32 @!p0 $0x1;
	_ =	shalt  }
.Lfunc_end2:
_tile_overlayer_lowered:
.L_overlay_start_2:
0x50: {  	(tag) =	ssettag $0x2  }
0x51: {  	s0 =	rddreg [dreg:$0x0];
	s2 =	stileid.u32  }
0x52: {  	s1 =	rddreg [dreg:$0x1];
	p0 =	sne.s32 s2, $0x0  }
0x53: {  	s3 =	rddreg [dreg:$0x2];
	[bflag:$0x3] =	sbarrier.arrive $0xFFFF;
	s2 =	simm.s32 @!p0 $0x1C01  }
0x54: {  	[timem:s3], [sflag:s2] =	dma.local @!p0 [hbm:s0], s1  }
0x55: {  	s0 =	simm.s32 @!p0 $0x1  }
0x56: {  	_ =	swait.ge @!p0 [sflag:s0], s1  }
0x57: {  	s1 =	ssub.s32 @!p0 $0x0, s1;
	[sflag:s0] =	ssyncset.done @!p0 $0x0  }
0x58: {  	[sflag:s0] =	ssyncadd.s32 @!p0 s1  }
0x59: {  	[bflag:$0x3] =	sbarrier.arrive $0xFFFF  }
0x5a: {  	_ =	shalt  }

// kernel: kernel.7.cloned.1.call-start
scs
__scs_entry_jumppad:
0x0: {  	(pc) =	sbr.rel $0x88, $3  }
0x1: {  	(tag) =	ssettag $0x0;
	lr =	simm.s32 $0x1  }
0x2: {  	[smem:$0x3F9B] =	sst lr;
	_ =	strace $0xD0000000  }
0x3: {  	_ = 	snop  }
0x4: {  	_ = 	snop  }
0x5: {  	_ = 	snop  }
0x6: {  	_ = 	snop  }
0x7: {  	_ = 	snop  }
__scs_overlays_trampoline_lowered:
0x8: {  	[smem:$0x3FAA] =	sst s0  }
0x9: {  	[smem:$0x3FAB] =	sst s1  }
0xa: {  	[smem:$0x3FAC] =	sst s2  }
0xb: {  	[smem:$0x3FAD] =	sst s3  }
0xc: {  	[smem:$0x3FAE] =	sst s4  }
0xd: {  	[smem:$0x3FAF] =	sst s5  }
0xe: {  	[smem:$0x3FB0] =	sst s6  }
0xf: {  	[smem:$0x3FB1] =	sst s7  }
0x10: {  	[smem:$0x3FB2] =	sst s8  }
0x11: {  	[smem:$0x3FB3] =	sst s9;
	s0 =	simm.s32 @!p0 $0x0  }
0x12: {  	s1 =	sld [smem:$0x3F99];
	s0 =	simm.s32 @p0 $0x1  }
0x13: {  	[smem:$0x3FB4] =	sst s0;
	s0 =	simm.s32 @!p1 $0x0  }
0x14: {  	s2 =	sld [smem:$0x3F98];
	s0 =	simm.s32 @p1 $0x1  }
0x15: {  	[smem:$0x3FB5] =	sst s0;
	s0 =	simm.s32 @!p2 $0x0  }
0x16: {  	s3 =	sld [smem:$0x3FDB];
	s0 =	simm.s32 @p2 $0x1  }
0x17: {  	s4 =	simm.s32 $0x1BF5;
	[smem:$0x3FB7] =	sst s0  }
0x18: {  	s0 =	sld [smem:$0x3F9A];
	_ =	swait.ge [sflag:s4], $0x0  }
0x19: {  	s7 =	sld [smem:$0x3F9B]  }
0x1a: {  	s8 =	sadd.s32 $0xFFFFE003, lr  }
0x1b: {  	s9 =	sadd.s32 $0xFFFFFEF7, lr;
	s5 =	simm.s32 $0xFFFFFFFF;
	p2 =	slt.u32 s8, $0xFFFFF086  }
0x1c: {  	p1 =	slt.u32 s9, $0xF7A;
	s5 =	simm.s32 @!p2 $0x0  }
0x1d: {  	s5 =	simm.s32 @p1 $0x1;
	p0 =	seq.s32 s7, s2  }
0x1e: {  	s7 =	smul.u32 @!p0 $0xF7A, s2;
	p2 =	seq.s32 @!p0 s5, $0x0  }
0x1f: {  	s9 =	smul.u32 $0xF7A, s1;
	s8 =	simm.s32 @!p0 $0x1BF5;
	p2 =	por !p2, p0  }
0x20: {  	[sflag:s8] =	ssyncset.s32 @!p0 $0xFFFFF086;
	s6 =	sadd.s32 @!p0 s3, s7;
	s7 =	simm.s32 @!p0 $0x108  }
0x21: {  	s3 =	sadd.s32 s3, s9;
	s6 =	sadd.s32 @!p0 $0x88, s6;
	s7 =	simm.s32 @p2 $0x1082  }
0x22: {  	[simem:s7], [sflag:s8] =	dma.local @!p0 [hbm:s6], $0xF7A  }
0x23: {  	s9 =	sor.u32 $0xD0000000, s2;
	s6 =	simm.s32 $0x108;
	_ =	swait.ge @!p0 [sflag:s8], $0x0  }
0x24: {  	s3 =	sadd.s32 $0x88, s3;
	s6 =	simm.s32 @!p1 $0x1082;
	[sflag:s4] =	ssyncset.s32 $0xFFFFF086  }
0x25: {  	[simem:s6], [sflag:s4] =	dma.local [hbm:s3], $0xF7A  }
0x26: {  	[smem:$0x3F9B] =	sst s1;
	(tag) =	ssettag s2;
	_ =	strace s9  }
0x27: {  	s1 =	sld [smem:$0x3FAB]  }
0x28: {  	s2 =	sld [smem:$0x3FAC]  }
0x29: {  	s4 =	sld [smem:$0x3FAE]  }
0x2a: {  	p0 =	seq.s32 s5, $0x0;
	s5 =	sld [smem:$0x3FAF]  }
0x2b: {  	s6 =	sld [smem:$0x3FB0]  }
0x2c: {  	s7 =	sld [smem:$0x3FB1]  }
0x2d: {  	s3 =	simm.s32 $0x108;
	s8 =	sld [smem:$0x3FB2]  }
0x2e: {  	s3 =	simm.s32 @!p0 $0x1082;
	s9 =	sld [smem:$0x3FB3]  }
0x2f: {  	lr =	sadd.s32 s0, s3;
	s0 =	sld [smem:$0x3FAA]  }
0x30: {  	s3 =	sld [smem:$0x3FAD]  }
0x31: {  	[smem:$0x3FB6] =	sst s10  }
0x32: {  	s10 =	sld [smem:$0x3FB4];
	_ =	sdelay $0x3  }
0x33: {  	p0 =	seq.s32 s10, $0x1;
	s10 =	sld [smem:$0x3FB6];
	_ =	sdelay $0x3  }
0x34: {  	[smem:$0x3FB6] =	sst s10  }
0x35: {  	s10 =	sld [smem:$0x3FB5];
	_ =	sdelay $0x3  }
0x36: {  	p1 =	seq.s32 s10, $0x1;
	s10 =	sld [smem:$0x3FB6];
	_ =	sdelay $0x3  }
0x37: {  	[smem:$0x3FB6] =	sst s10  }
0x38: {  	s10 =	sld [smem:$0x3FB7]  }
0x39: {  	_ = 	snop;
	(pc) =	sbr.ind lr, $3  }
0x3a: {  	_ = 	snop  }
0x3b: {  	_ = 	snop  }
0x3c: {  	p2 =	seq.s32 s10, $0x1;
	s10 =	sld [smem:$0x3FB6]  }
0x3d: {  	_ =	shalt  }
0x3e: {  	_ =	shalt  }
0x3f: {  	_ =	shalt  }
0x40: {  	_ =	shalt  }
0x41: {  	_ =	shalt  }
0x42: {  	_ =	shalt  }
0x43: {  	_ =	shalt  }
0x44: {  	_ =	shalt  }
0x45: {  	_ =	shalt  }
0x46: {  	_ =	shalt  }
0x47: {  	_ =	shalt  }
0x48: {  	_ =	shalt  }
0x49: {  	_ =	shalt  }
0x4a: {  	_ =	shalt  }
0x4b: {  	_ =	shalt  }
0x4c: {  	_ =	shalt  }
0x4d: {  	_ =	shalt  }
0x4e: {  	_ =	shalt  }
0x4f: {  	_ =	shalt  }
0x50: {  	_ =	shalt  }
0x51: {  	_ =	shalt  }
0x52: {  	_ =	shalt  }
0x53: {  	_ =	shalt  }
0x54: {  	_ =	shalt  }
0x55: {  	_ =	shalt  }
0x56: {  	_ =	shalt  }
0x57: {  	_ =	shalt  }
0x58: {  	_ =	shalt  }
0x59: {  	_ =	shalt  }
0x5a: {  	_ =	shalt  }
0x5b: {  	_ =	shalt  }
0x5c: {  	_ =	shalt  }
0x5d: {  	_ =	shalt  }
0x5e: {  	_ =	shalt  }
0x5f: {  	_ =	shalt  }
0x60: {  	_ =	shalt  }
0x61: {  	_ =	shalt  }
0x62: {  	_ =	shalt  }
0x63: {  	_ =	shalt  }
0x64: {  	_ =	shalt  }
0x65: {  	_ =	shalt  }
0x66: {  	_ =	shalt  }
0x67: {  	_ =	shalt  }
0x68: {  	_ =	shalt  }
0x69: {  	_ =	shalt  }
0x6a: {  	_ =	shalt  }
0x6b: {  	_ =	shalt  }
0x6c: {  	_ =	shalt  }
0x6d: {  	_ =	shalt  }
0x6e: {  	_ =	shalt  }
0x6f: {  	_ =	shalt  }
0x70: {  	_ =	shalt  }
0x71: {  	_ =	shalt  }
0x72: {  	_ =	shalt  }
0x73: {  	_ =	shalt  }
0x74: {  	_ =	shalt  }
0x75: {  	_ =	shalt  }
0x76: {  	_ =	shalt  }
0x77: {  	_ =	shalt  }
0x78: {  	_ =	shalt  }
0x79: {  	_ =	shalt  }
0x7a: {  	_ =	shalt  }
0x7b: {  	_ =	shalt  }
0x7c: {  	_ =	shalt  }
0x7d: {  	_ =	shalt  }
0x7e: {  	_ =	shalt  }
0x7f: {  	_ =	shalt  }
0x80: {  	_ =	shalt  }
0x81: {  	_ =	shalt  }
0x82: {  	_ =	shalt  }
0x83: {  	_ =	shalt  }
0x84: {  	_ =	shalt  }
0x85: {  	_ =	shalt  }
0x86: {  	_ =	shalt  }
0x87: {  	_ =	shalt  }
.Lfunc_end0:
.L_simem_size_0:
called_computation_lowered:
.L_overlay_start_0:
0x88: {  	s2 =	sld [smem:$0x3FD9]  }
0x89: {  	s3 =	sld [smem:$0x3FFE];
	_ =	sdelay $0x1  }
0x8a: {  	s1 =	srdreg.scid  }
0x8b: {  	s0 =	sand.u32 $0x1, s1  }
0x8c: {  	s17 =	sshll.u32 s0, $0xA;
	s2 =	sadd.s32 s3, s2  }
0x8d: {  	s2 =	sadd.s32 s2, s17  }
0x8e: {  	[smem:$0x3FC2] =	sst s2  }
0x8f: {  	_ = 	snop  }
0x90: {  	s2 =	sld [smem:$0x3FC9];
	(tm) =	ssettm $0x1  }
0x91: {  	s18 =	sld [smem:$0x3FFB];
	_ =	sdelay $0x3  }
0x92: {  	_ =	strace s18  }
0x93: {  	s3 =	sld [smem:$0x3FFC];
	_ =	sdelay $0x3  }
0x94: {  	_ =	strace s3  }
0x95: {  	s3 =	sld [smem:$0x3FFD];
	_ =	sdelay $0x3  }
0x96: {  	_ =	strace s3  }
0x97: {  	_ =	strace $0x8FFFFFFF  }
0x98: {  	s19 =	sld [smem:$0x3FDB];
	_ =	sdelay $0x1  }
0x99: {  	s4 =	simm.s32 $_scs_section_size  }
0x9a: {  	s5 =	simm.s32 $_size__tile_overlayer_lowered;
	s6 =	simm.s32 $_tile_overlayer_lowered  }
0x9b: {  	s22 =	simm.s32 $0x1BFF;
	s21 =	sshll.u32 s6, $0x1;
	s3 =	sadd.s32 s4, s19  }
0x9c: {  	s7 =	simm.s32 $0x0;
	s20 =	sshll.u32 s5, $0x1;
	s5 =	sadd.s32 s21, s3  }
0x9d: {  	[timem:s7], [sflag:s22] =	dma.local [hbm:s5], s20  }
0x9e: {  	_ =	swait.ge [sflag:s22], s20  }
0x9f: {  	s4 =	ssub.s32 $0x0, s20;
	[sflag:s22] =	ssyncset.done $0x0  }
0xa0: {  	[sflag:s22] =	ssyncadd.s32 s4;
	_ =	sdelay $0x1  }
0xa1: {  	s23 =	simm.s32 $0x1B8B  }
0xa2: {  	_ =	swait.ge [sflag:s23], $0x1  }
0xa3: {  	[sflag:s23] =	ssyncset.done $0x0  }
0xa4: {  	s25 =	simm.s32 $0x1B8E;
	s24 =	sld [smem:$0x3FFE];
	[sflag:s23] =	ssyncadd.s32 $0xFFFFFFFF  }
0xa5: {  	s26 =	simm.s32 $execute0_lowered;
	[smem:$0x3FD2] =	sst s25  }
0xa6: {  	s5 =	sshll.u32 s26, $0x1;
	_ =	strace $0x80000046;
	[dreg:$0x1] =	wrdreg $0xFFFFFFFF  }
0xa7: {  	s28 =	simm.s32 $_size_execute0_lowered;
	s3 =	sadd.s32 s3, s5;
	[dreg:$0x0] =	wrdreg $0x0  }
0xa8: {  	s5 =	sshll.u32 s28, $0x1;
	[dreg:$0x2] =	wrdreg s3  }
0xa9: {  	[dreg:$0x3] =	wrdreg s5  }
0xaa: {  	[dreg:$0x4] =	wrdreg $0xC0  }
0xab: {  	_ =	task [dreg:s7], $0x5FFFF  }
0xac: {  	[dreg:$0x1] =	wrdreg $0xFFFFFFFF  }
0xad: {  	[dreg:$0x0] =	wrdreg $0x60  }
0xae: {  	[dreg:$0x2] =	wrdreg s2  }
0xaf: {  	[dreg:$0x3] =	wrdreg s24  }
0xb0: {  	[dreg:$0x4] =	wrdreg $0x9  }
0xb1: {  	_ =	task.clear_ibuf [dreg:s7], $0x5FFFF;
	_ =	strace $0x90000046  }
0xb2: {  	s29 =	simm.s32 $0x9;
	_ =	strace $0x80000048  }
0xb3: {  	_ =	swait.ge [sflag:s29], $0x1  }
0xb4: {  	[sflag:s29] =	ssyncadd.s32 $0xFFFFFFFF  }
0xb5: {  	_ =	strace $0x90000048  }
0xb6: {  	_ =	sfence  }
0xb7: {  	s30 =	sld [smem:$0x0];
	_ =	sdelay $0x2  }
0xb8: {  	s31 =	sshll.u32 s1, $0xD;
	s1 =	sshrl.u32 s1, $0x2  }
0xb9: {  	s3 =	sand.u32 $0x4000, s31;
	s1 =	sadd.s32 s1, s30  }
0xba: {  	s0 =	sor.u32 s3, s0;
	s1 =	sshll.u32 s1, $0x11  }
0xbb: {  	s0 =	sor.u32 s1, s0  }
0xbc: {  	s0 =	sadd.s32 $0x8F2B, s0  }
0xbd: {  	[sflag:s0] =	ssyncadd.remote.s32 $0x1  }
0xbe: {  	_ =	sfence.sel $0xFFFF  }
0xbf: {  	[dreg:$0x0] =	wrdreg $0xFFFFFFFF;
	(pc) =	sbr.abs _section_cstart, $3  }
0xc0: {  	[dreg:$0x1] =	wrdreg $0xFFFFFFFF  }
0xc1: {  	_ =	task.clear_ibuf [dreg:s7], $0x2FFFF;
	_ =	strace $0x9FFFFFFF  }
0xc2: {  	(tm) =	ssettm $0x7FFFFFFF  }
0xc3: {  	_ =	shalt  }
tec
execute0_lowered:
.L_overlay_start_1:
0x0: {  	(tag) =	ssettag $0x1  }
0x1: {  	s7 =	rddreg [dreg:$0x0]  }
0x2: {  	s8 =	rddreg [dreg:$0x1]  }
0x3: {  	s0 =	rddreg [dreg:$0x2];
	s2 =	simm.s32 $0x0;
	s3 =	srdreg.scid  }
0x4: {  	s1 =	stileid.u32;
	s12 =	simm.s32 $0xC00;
	s13 =	simm.s32 $0x1400  }
0x5: {  	s14 =	simm.s32 $0x1C00;
	s15 =	simm.s32 $0x2400;
	s16 =	simm.s32 $0x2C00  }
0x6: {  	s17 =	simm.s32 $0x3400;
	s18 =	simm.s32 $0x3C00;
	s19 =	simm.s32 $0x4400  }
0x7: {  	s20 =	simm.s32 $0x4C00;
	s21 =	simm.s32 $0x5400;
	s22 =	simm.s32 $0x5C00  }
0x8: {  	s23 =	simm.s32 $0x6400;
	s24 =	simm.s32 $0x6C00;
	s25 =	simm.s32 $0x7400  }
0x9: {  	s26 =	simm.s32 $0x7C00;
	s28 =	simm.s32 $0x0;
	[smem:$0x7FF] =	sst s2  }
0xa: {  	s9 =	sand.u32 $0x1, s3;
	s30 =	sshll.u32 s1, $0x8;
	s11 =	sshll.u32 s1, $0xF  }
0xb: {  	s4 =	sshll.u32 s9, $0x7;
	s5 =	ssub.s32 $0x2, s9;
	_ =	strace $0x80000047  }
0xc: {  	s11 =	sadd.s32 s11, s7;
	s9 =	sshll.u32 s9, $0xE;
	s7 =	sadd.s32 $0x21F00, s8  }
0xd: {  	s3 =	sor.u32 s4, s30;
	s31 =	sshrl.u32 s5, $0x1;
	s9 =	sadd.s32 s9, s11  }
0xe: {  	v2 =	vlaneseq.u32;
	s11 =	simm.s32 $0x400;
	s6 =	sadd.s32 s3, s8;
	s3 =	sadd.s32 $0x21C00, s8  }
0xf: {  	vm0 =	vmmov $0xffff;
	v1 =	vshrl.u32 v2, $0x3;
	s10 =	ssub.s32 s5, s31;
	s5 =	sadd.s32 $0x21D00, s8;
	s4 =	sadd.s32 $0x20C00, s6  }
0x10: {  	v0 =	vand.u32 $0x7, v2;
	v2 =	vor.u32 $0x8, v2;
	v1 =	vmul.u32 $0x8, v1;
	s6 =	sadd.s32 $0x21E00, s8;
	s8 =	smax.u32 s10, $0x1;
	s10 =	simm.s32 $0x1  }
.LBB2_1:
0x11: {  	[tilespmem:s2], [sflag:$0x1] =	stream.linear.gather [hbm4b:s4+s2], $0x400, $0x38;
	[tilespmem:$0x8400] =	vst v63  }
0x12: {  	_ =	swait.ge [sflag:s10], $0x400  }
0x13: {  	[sflag:s10] =	ssyncset.done $0x0  }
0x14: {  	s29 =	simm.s32 $0x10;
	s30 =	simm.s32 $0x0;
	[sflag:s10] =	ssyncadd.s32 $0xFFFFFC00  }
.LBB2_2:
0x15: {  	s31 =	sadd.s32 s30, s9  }
0x16: {  	[tilespmem:s11], [sflag:$0x1] =	stream.linear.gather [hbm4b:s31+s2], $0x8000, $0x38;
	[tilespmem:$0x8400] =	vst v63  }
0x17: {  	_ =	swait.ge [sflag:s10], $0x8000  }
0x18: {  	[sflag:s10] =	ssyncset.done $0x0  }
0x19: {  	[sflag:s10] =	ssyncadd.s32 $0xFFFF8000  }
0x1a: {  	v3 =	vld [tilespmem:s29+$0xFFFFFFF0];
	_ =	sdelay $0x4  }
0x1b: {  	v4 =	vshll.u32 v3, $0x3  }
0x1c: {  	v3 =	vand.u32 $0x7, v3;
	v4 =	vand.u32 $0xFFFFFFC0, v4  }
0x1d: {  	v3 =	vor.u32 v3, v4  }
0x1e: {  	v4 =	vperm.xlane v3, v0;
	_ =	sdelay $0x1  }
0x1f: {  	v4 =	vadd.s32 v1, v4;
	_ =	sdelay $0x4  }
0x20: {  	[hbm4b:s3+s2] =	stream.indirect_vreg.scatter [tilespmem:s11], [sflag:$0x1], $0x80, v4, vm0, $0xb8;
	[tilespmem:$0x8400] =	vst v63  }
0x21: {  	v3 =	vperm.xlane v3, v2  }
0x22: {  	[hbm4b:s5+s2] =	stream.indirect_vreg.scatter [tilespmem:s12], [sflag:$0x1], $0x80, v4, vm0, $0xb8;
	[tilespmem:$0x8400] =	vst v63  }
0x23: {  	v3 =	vadd.s32 v1, v3  }
0x24: {  	[hbm4b:s6+s2] =	stream.indirect_vreg.scatter [tilespmem:s13], [sflag:$0x1], $0x80, v4, vm0, $0xb8;
	[tilespmem:$0x8400] =	vst v63  }
0x25: {  	_ = 	snop  }
0x26: {  	[hbm4b:s7+s2] =	stream.indirect_vreg.scatter [tilespmem:s14], [sflag:$0x1], $0x80, v4, vm0, $0xb8;
	[tilespmem:$0x8400] =	vst v63  }
0x27: {  	_ = 	snop  }
0x28: {  	[hbm4b:s3+s2] =	stream.indirect_vreg.scatter [tilespmem:s15], [sflag:$0x1], $0x80, v3, vm0, $0xb8;
	[tilespmem:$0x8400] =	vst v63  }
0x29: {  	_ = 	snop  }
0x2a: {  	[hbm4b:s5+s2] =	stream.indirect_vreg.scatter [tilespmem:s16], [sflag:$0x1], $0x80, v3, vm0, $0xb8;
	[tilespmem:$0x8400] =	vst v63  }
0x2b: {  	_ = 	snop  }
0x2c: {  	[hbm4b:s6+s2] =	stream.indirect_vreg.scatter [tilespmem:s17], [sflag:$0x1], $0x80, v3, vm0, $0xb8;
	[tilespmem:$0x8400] =	vst v63  }
0x2d: {  	_ = 	snop  }
0x2e: {  	[hbm4b:s7+s2] =	stream.indirect_vreg.scatter [tilespmem:s18], [sflag:$0x1], $0x80, v3, vm0, $0xb8;
	[tilespmem:$0x8400] =	vst v63  }
0x2f: {  	v3 =	vld [tilespmem:s29+$0x0];
	_ =	sdelay $0x4  }
0x30: {  	v61 =	vshll.u32 v3, $0x3  }
0x31: {  	v3 =	vand.u32 $0x7, v3;
	v4 =	vand.u32 $0xFFFFFFC0, v61  }
0x32: {  	v3 =	vor.u32 v3, v4  }
0x33: {  	v4 =	vperm.xlane v3, v0;
	_ =	sdelay $0x1  }
0x34: {  	v4 =	vadd.s32 v1, v4;
	_ =	sdelay $0x4  }
0x35: {  	[hbm4b:s3+s2] =	stream.indirect_vreg.scatter [tilespmem:s19], [sflag:$0x1], $0x80, v4, vm0, $0xb8;
	[tilespmem:$0x8400] =	vst v63  }
0x36: {  	v3 =	vperm.xlane v3, v2  }
0x37: {  	[hbm4b:s5+s2] =	stream.indirect_vreg.scatter [tilespmem:s20], [sflag:$0x1], $0x80, v4, vm0, $0xb8;
	[tilespmem:$0x8400] =	vst v63  }
0x38: {  	v3 =	vadd.s32 v1, v3  }
0x39: {  	[hbm4b:s6+s2] =	stream.indirect_vreg.scatter [tilespmem:s21], [sflag:$0x1], $0x80, v4, vm0, $0xb8;
	[tilespmem:$0x8400] =	vst v63  }
0x3a: {  	_ = 	snop  }
0x3b: {  	[hbm4b:s7+s2] =	stream.indirect_vreg.scatter [tilespmem:s22], [sflag:$0x1], $0x80, v4, vm0, $0xb8;
	[tilespmem:$0x8400] =	vst v63  }
0x3c: {  	_ = 	snop  }
0x3d: {  	[hbm4b:s3+s2] =	stream.indirect_vreg.scatter [tilespmem:s23], [sflag:$0x1], $0x80, v3, vm0, $0xb8;
	[tilespmem:$0x8400] =	vst v63  }
0x3e: {  	_ = 	snop  }
0x3f: {  	[hbm4b:s5+s2] =	stream.indirect_vreg.scatter [tilespmem:s24], [sflag:$0x1], $0x80, v3, vm0, $0xb8;
	[tilespmem:$0x8400] =	vst v63  }
0x40: {  	_ = 	snop  }
0x41: {  	[hbm4b:s6+s2] =	stream.indirect_vreg.scatter [tilespmem:s25], [sflag:$0x1], $0x80, v3, vm0, $0xb8;
	[tilespmem:$0x8400] =	vst v63  }
0x42: {  	_ = 	snop  }
0x43: {  	[hbm4b:s7+s2] =	stream.indirect_vreg.scatter [tilespmem:s26], [sflag:$0x1], $0x80, v3, vm0, $0xb8;
	[tilespmem:$0x8400] =	vst v63  }
0x44: {  	_ =	swait.ge [sflag:s10], $0x8000  }
0x45: {  	[sflag:s10] =	ssyncset.done $0x0  }
0x46: {  	[sflag:s10] =	ssyncadd.s32 $0xFFFF8000  }
0x47: {  	v3 =	vld [tilespmem:s29+$0x1F0];
	_ =	sdelay $0x4  }
0x48: {  	v62 =	vshll.u32 v3, $0x3  }
0x49: {  	v3 =	vand.u32 $0x7, v3;
	v4 =	vand.u32 $0xFFFFFFC0, v62  }
0x4a: {  	v3 =	vor.u32 v3, v4  }
0x4b: {  	v4 =	vperm.xlane v3, v0;
	_ =	sdelay $0x1  }
0x4c: {  	v4 =	vadd.s32 v1, v4;
	_ =	sdelay $0x4  }
0x4d: {  	[hbm4b:s3+s2] =	stream.indirect_vreg.scatter [tilespmem:s11], [sflag:$0x1], $0x80, v4, vm0, $0xb8;
	[tilespmem:$0x8400] =	vst v63  }
0x4e: {  	v3 =	vperm.xlane v3, v2  }
0x4f: {  	[hbm4b:s5+s2] =	stream.indirect_vreg.scatter [tilespmem:s12], [sflag:$0x1], $0x80, v4, vm0, $0xb8;
	[tilespmem:$0x8400] =	vst v63  }
0x50: {  	v3 =	vadd.s32 v1, v3  }
0x51: {  	[hbm4b:s6+s2] =	stream.indirect_vreg.scatter [tilespmem:s13], [sflag:$0x1], $0x80, v4, vm0, $0xb8;
	[tilespmem:$0x8400] =	vst v63  }
0x52: {  	_ = 	snop  }
0x53: {  	[hbm4b:s7+s2] =	stream.indirect_vreg.scatter [tilespmem:s14], [sflag:$0x1], $0x80, v4, vm0, $0xb8;
	[tilespmem:$0x8400] =	vst v63  }
0x54: {  	_ = 	snop  }
0x55: {  	[hbm4b:s3+s2] =	stream.indirect_vreg.scatter [tilespmem:s15], [sflag:$0x1], $0x80, v3, vm0, $0xb8;
	[tilespmem:$0x8400] =	vst v63  }
0x56: {  	_ = 	snop  }
0x57: {  	[hbm4b:s5+s2] =	stream.indirect_vreg.scatter [tilespmem:s16], [sflag:$0x1], $0x80, v3, vm0, $0xb8;
	[tilespmem:$0x8400] =	vst v63  }
0x58: {  	_ = 	snop  }
0x59: {  	[hbm4b:s6+s2] =	stream.indirect_vreg.scatter [tilespmem:s17], [sflag:$0x1], $0x80, v3, vm0, $0xb8;
	[tilespmem:$0x8400] =	vst v63  }
0x5a: {  	_ = 	snop  }
0x5b: {  	[hbm4b:s7+s2] =	stream.indirect_vreg.scatter [tilespmem:s18], [sflag:$0x1], $0x80, v3, vm0, $0xb8;
	[tilespmem:$0x8400] =	vst v63  }
0x5c: {  	v3 =	vld [tilespmem:s29+$0x200];
	_ =	sdelay $0x4  }
0x5d: {  	v63 =	vshll.u32 v3, $0x3  }
0x5e: {  	v3 =	vand.u32 $0x7, v3;
	v4 =	vand.u32 $0xFFFFFFC0, v63  }
0x5f: {  	v3 =	vor.u32 v3, v4  }
0x60: {  	v4 =	vperm.xlane v3, v0;
	_ =	sdelay $0x1  }
0x61: {  	v4 =	vadd.s32 v1, v4;
	_ =	sdelay $0x4  }
0x62: {  	[hbm4b:s3+s2] =	stream.indirect_vreg.scatter [tilespmem:s19], [sflag:$0x1], $0x80, v4, vm0, $0xb8;
	[tilespmem:$0x8400] =	vst v63  }
0x63: {  	v3 =	vperm.xlane v3, v2  }
0x64: {  	[hbm4b:s5+s2] =	stream.indirect_vreg.scatter [tilespmem:s20], [sflag:$0x1], $0x80, v4, vm0, $0xb8;
	[tilespmem:$0x8400] =	vst v63  }
0x65: {  	v3 =	vadd.s32 v1, v3  }
0x66: {  	[hbm4b:s6+s2] =	stream.indirect_vreg.scatter [tilespmem:s21], [sflag:$0x1], $0x80, v4, vm0, $0xb8;
	[tilespmem:$0x8400] =	vst v63  }
0x67: {  	_ = 	snop  }
0x68: {  	[hbm4b:s7+s2] =	stream.indirect_vreg.scatter [tilespmem:s22], [sflag:$0x1], $0x80, v4, vm0, $0xb8;
	[tilespmem:$0x8400] =	vst v63  }
0x69: {  	_ = 	snop  }
0x6a: {  	[hbm4b:s3+s2] =	stream.indirect_vreg.scatter [tilespmem:s23], [sflag:$0x1], $0x80, v3, vm0, $0xb8;
	[tilespmem:$0x8400] =	vst v63  }
0x6b: {  	_ = 	snop  }
0x6c: {  	[hbm4b:s5+s2] =	stream.indirect_vreg.scatter [tilespmem:s24], [sflag:$0x1], $0x80, v3, vm0, $0xb8;
	[tilespmem:$0x8400] =	vst v63  }
0x6d: {  	p0 =	sne.s32 s30, $0x3000  }
0x6e: {  	[hbm4b:s6+s2] =	stream.indirect_vreg.scatter [tilespmem:s25], [sflag:$0x1], $0x80, v3, vm0, $0xb8;
	[tilespmem:$0x8400] =	vst v63  }
.Ltmp0:
0x6f: {  	_ = 	snop;
	(pc) =	sbr.rel @p0 .LBB2_2-.Ltmp0, $4  }
0x70: {  	[hbm4b:s7+s2] =	stream.indirect_vreg.scatter [tilespmem:s26], [sflag:$0x1], $0x80, v3, vm0, $0xb8;
	[tilespmem:$0x8400] =	vst v63  }
0x71: {  	_ =	swait.ge [sflag:s10], $0x8000  }
0x72: {  	[sflag:s10] =	ssyncset.done $0x0  }
0x73: {  	s30 =	sadd.s32 $0x1000, s30;
	s29 =	sadd.s32 $0x80, s29;
	[sflag:s10] =	ssyncadd.s32 $0xFFFF8000  }
0x74: {  	s28 =	sadd.s32 $0x1, s28  }
0x75: {  	p0 =	sne.s32 s28, s8  }
.Ltmp1:
0x76: {  	_ = 	snop;
	(pc) =	sbr.rel @p0 .LBB2_1-.Ltmp1, $1  }
0x77: {  	_ =	sdelay $0x3  }
0x78: {  	_ =	sfence.sel $0x180000  }
0x79: {  	[bflag:$0x0] =	sbarrier.arrive $0xFFFF  }
0x7a: {  	p0 =	sne.s32 s1, $0x0;
	_ =	strace $0x90000047  }
0x7b: {  	s0 =	sadd.s32 @!p0 $0x100000, s0;
	[bflag:$0x2] =	sbarrier.arrive $0xFFFF  }
0x7c: {  	[sflag:s0] =	ssyncadd.tile.s32 @!p0 $0x1;
	_ =	shalt  }
.Lfunc_end2:
_tile_overlayer_lowered:
.L_overlay_start_2:
0x7d: {  	(tag) =	ssettag $0x2  }
0x7e: {  	s0 =	rddreg [dreg:$0x0];
	s2 =	stileid.u32  }
0x7f: {  	s1 =	rddreg [dreg:$0x1];
	p0 =	sne.s32 s2, $0x0  }
0x80: {  	s3 =	rddreg [dreg:$0x2];
	[bflag:$0x3] =	sbarrier.arrive $0xFFFF;
	s2 =	simm.s32 @!p0 $0x1C01  }
0x81: {  	[timem:s3], [sflag:s2] =	dma.local @!p0 [hbm:s0], s1  }
0x82: {  	s0 =	simm.s32 @!p0 $0x1  }
0x83: {  	_ =	swait.ge @!p0 [sflag:s0], s1  }
0x84: {  	s1 =	ssub.s32 @!p0 $0x0, s1;
	[sflag:s0] =	ssyncset.done @!p0 $0x0  }
0x85: {  	[sflag:s0] =	ssyncadd.s32 @!p0 s1  }
0x86: {  	[bflag:$0x3] =	sbarrier.arrive $0xFFFF  }
0x87: {  	_ =	shalt  }

</sc_bundles>
